<compile_context>
chip_gen: v7x
topology: tpu7x:2x2x1
jax: 0.10.2.dev20260603
libtpu: 0.0.44.dev20260713+nightly
codegen_flags: <defaults>
</compile_context>

<pallas_src>
import functools

import jax
import jax.numpy as jnp
from jax import lax
from jax.experimental import pallas as pl
from jax.experimental.pallas import tpu as pltpu
from jax.experimental.pallas import tpu_sc as plsc

N = 10000
E = 160000
D = 256
HALF = 128
NC = 2
NS = 16
EDGES_PER_TILE = E // NS
CHUNK = 128
NCHUNK = 10240 // CHUNK
PAD_PER_TILE = 10240 - EDGES_PER_TILE
PHASES = 2
PCH = NCHUNK // PHASES
ROWS_PER_TILE = 624
LAST_TILE_ROWS = N - 15 * ROWS_PER_TILE
ACC_ROWS = N + 16


def _agg_body(h_hbm, src_hbm, dst_hbm, out_hbm, src_v, dst_v, buf0, buf1,
              acc, sem0, sem1, ssem0, ssem1):
    c = lax.axis_index("c")
    s = lax.axis_index("s")
    @pl.when(s < 15)
    def _():
        pltpu.sync_copy(
            h_hbm.at[pl.ds(c * N + s * ROWS_PER_TILE, ROWS_PER_TILE)],
            acc.at[pl.ds(s * ROWS_PER_TILE, ROWS_PER_TILE)],
        )

    @pl.when(s == 15)
    def _():
        pltpu.sync_copy(
            h_hbm.at[pl.ds(c * N + 15 * ROWS_PER_TILE, LAST_TILE_ROWS)],
            acc.at[pl.ds(15 * ROWS_PER_TILE, LAST_TILE_ROWS)],
        )

    plsc.subcore_barrier()

    for p in range(PHASES):
        pltpu.sync_copy(src_hbm.at[c, s, pl.ds(p * PCH, PCH)], src_v)
        pltpu.sync_copy(dst_hbm.at[s, pl.ds(p * PCH, PCH)], dst_v)
        pltpu.async_copy(h_hbm.at[src_v.at[0]], buf0, sem0)
        pltpu.async_copy(h_hbm.at[src_v.at[1]], buf1, sem1)

        @pl.loop(0, PCH, step=2)
        def _(j):
            pltpu.make_async_copy(h_hbm.at[src_v.at[j]], buf0, sem0).wait()
            pltpu.sync_copy(buf0, acc.at[dst_v.at[j]], add=True)

            @pl.when(j + 2 < PCH)
            def _():
                pltpu.async_copy(h_hbm.at[src_v.at[j + 2]], buf0, sem0)

            pltpu.make_async_copy(h_hbm.at[src_v.at[j + 1]], buf1, sem1).wait()
            pltpu.sync_copy(buf1, acc.at[dst_v.at[j + 1]], add=True)

            @pl.when(j + 3 < PCH)
            def _():
                pltpu.async_copy(h_hbm.at[src_v.at[j + 3]], buf1, sem1)

    plsc.subcore_barrier()

    @pl.when(s < 15)
    def _():
        pltpu.sync_copy(
            acc.at[pl.ds(s * ROWS_PER_TILE, ROWS_PER_TILE)],
            out_hbm.at[pl.ds(c * N + s * ROWS_PER_TILE, ROWS_PER_TILE)],
        )

    @pl.when(s == 15)
    def _():
        pltpu.sync_copy(
            acc.at[pl.ds(15 * ROWS_PER_TILE, LAST_TILE_ROWS)],
            out_hbm.at[pl.ds(c * N + 15 * ROWS_PER_TILE, LAST_TILE_ROWS)],
        )


@jax.jit
def _sc_agg(h2, src_idx, dst_idx):
    mesh = plsc.VectorSubcoreMesh(core_axis_name="c", subcore_axis_name="s")
    k = pl.kernel(
        _agg_body,
        out_type=jax.ShapeDtypeStruct((NC * N, HALF), jnp.float32),
        mesh=mesh,
        scratch_types=[
            pltpu.VMEM((PCH, CHUNK), jnp.int32),
            pltpu.VMEM((PCH, CHUNK), jnp.int32),
            pltpu.VMEM((CHUNK, HALF), jnp.float32),
            pltpu.VMEM((CHUNK, HALF), jnp.float32),
            pltpu.VMEM_SHARED((ACC_ROWS, HALF), jnp.float32),
            pltpu.SemaphoreType.DMA,
            pltpu.SemaphoreType.DMA,
            pltpu.SemaphoreType.DMA,
            pltpu.SemaphoreType.DMA,
        ],
    )
    return k(h2, src_idx, dst_idx)


RB = 2000
NBLK = N // RB


def _mm1_body(z_ref, w1_ref, b1_ref, h_ref, s_ref, q_ref):
    hi = jax.lax.Precision.DEFAULT
    h = (
        jnp.dot(z_ref[0], w1_ref[:HALF, :], precision=hi,
                preferred_element_type=jnp.float32)
        + jnp.dot(z_ref[1], w1_ref[HALF:, :], precision=hi,
                  preferred_element_type=jnp.float32)
        + b1_ref[:]
    )
    h_ref[...] = h

    @pl.when(pl.program_id(0) == 0)
    def _():
        s_ref[...] = jnp.zeros_like(s_ref)
        q_ref[...] = jnp.zeros_like(q_ref)

    s_ref[...] += jnp.sum(h, axis=0, keepdims=True)
    q_ref[...] += jnp.sum(h * h, axis=0, keepdims=True)


def _mm2_body(h_ref, s_ref, q_ref, g_ref, be_ref, w2_ref, b2_ref, o_ref):
    hi = jax.lax.Precision.DEFAULT
    m = s_ref[...] * (1.0 / N)
    v = q_ref[...] * (1.0 / N) - m * m
    hn = (h_ref[...] - m) * jax.lax.rsqrt(v + 1e-5) * g_ref[:] + be_ref[:]
    hn = jnp.maximum(hn, 0.0)
    o_ref[0] = jnp.maximum(
        jnp.dot(hn, w2_ref[:, :HALF], precision=hi,
                preferred_element_type=jnp.float32) + b2_ref[:, :HALF], 0.0)
    o_ref[1] = jnp.maximum(
        jnp.dot(hn, w2_ref[:, HALF:], precision=hi,
                preferred_element_type=jnp.float32) + b2_ref[:, HALF:], 0.0)


def _mlp01(z2, w1, b1, g, be, w2, b2):
    h, s, q = pl.pallas_call(
        _mm1_body,
        grid=(NBLK,),
        in_specs=[
            pl.BlockSpec((2, RB, HALF), lambda i: (0, i, 0)),
            pl.BlockSpec((D, D), lambda i: (0, 0)),
            pl.BlockSpec((1, D), lambda i: (0, 0)),
        ],
        out_specs=[
            pl.BlockSpec((RB, D), lambda i: (i, 0)),
            pl.BlockSpec((1, D), lambda i: (0, 0)),
            pl.BlockSpec((1, D), lambda i: (0, 0)),
        ],
        out_shape=[
            jax.ShapeDtypeStruct((N, D), jnp.float32),
            jax.ShapeDtypeStruct((1, D), jnp.float32),
            jax.ShapeDtypeStruct((1, D), jnp.float32),
        ],
    )(z2.reshape(2, N, HALF), w1, b1)
    return pl.pallas_call(
        _mm2_body,
        grid=(NBLK,),
        in_specs=[
            pl.BlockSpec((RB, D), lambda i: (i, 0)),
            pl.BlockSpec((1, D), lambda i: (0, 0)),
            pl.BlockSpec((1, D), lambda i: (0, 0)),
            pl.BlockSpec((1, D), lambda i: (0, 0)),
            pl.BlockSpec((1, D), lambda i: (0, 0)),
            pl.BlockSpec((D, D), lambda i: (0, 0)),
            pl.BlockSpec((1, D), lambda i: (0, 0)),
        ],
        out_specs=pl.BlockSpec((2, RB, HALF), lambda i: (0, i, 0)),
        out_shape=jax.ShapeDtypeStruct((2, N, HALF), jnp.float32),
    )(h, s, q, g, be, w2, b2)


def _mlp2_body(z_ref, w1_ref, b1_ref, w2_ref, b2_ref, o_ref):
    hi = jax.lax.Precision.DEFAULT
    h = (
        jnp.dot(z_ref[0], w1_ref[:HALF, :], precision=hi,
                preferred_element_type=jnp.float32)
        + jnp.dot(z_ref[1], w1_ref[HALF:, :], precision=hi,
                  preferred_element_type=jnp.float32)
        + b1_ref[:]
    )
    o_ref[...] = (
        jnp.dot(h, w2_ref[...], precision=hi,
                preferred_element_type=jnp.float32) + b2_ref[:]
    )


def _mlp2(z2, w1, b1, w2, b2):
    return pl.pallas_call(
        _mlp2_body,
        grid=(NBLK,),
        in_specs=[
            pl.BlockSpec((2, RB, HALF), lambda i: (0, i, 0)),
            pl.BlockSpec((D, D), lambda i: (0, 0)),
            pl.BlockSpec((1, D), lambda i: (0, 0)),
            pl.BlockSpec((D, D), lambda i: (0, 0)),
            pl.BlockSpec((1, D), lambda i: (0, 0)),
        ],
        out_specs=pl.BlockSpec((RB, D), lambda i: (i, 0)),
        out_shape=jax.ShapeDtypeStruct((N, D), jnp.float32),
    )(z2.reshape(2, N, HALF), w1, b1, w2, b2)


def kernel(x, edge_index, l0_W1, l0_b1, l0_W2, l0_b2, l0_g, l0_beta,
           l1_W1, l1_b1, l1_W2, l1_b2, l1_g, l1_beta,
           l2_W1, l2_b1, l2_W2, l2_b2):
    src = edge_index[0].astype(jnp.int32)
    dst = edge_index[1].astype(jnp.int32)

    src_t = jnp.pad(src.reshape(NS, EDGES_PER_TILE), ((0, 0), (0, PAD_PER_TILE)))
    dst_t = jnp.pad(dst.reshape(NS, EDGES_PER_TILE), ((0, 0), (0, PAD_PER_TILE)),
                    constant_values=N)
    src_idx = jnp.stack([src_t, src_t + N]).reshape(NC, NS, NCHUNK, CHUNK)
    dst_idx = dst_t.reshape(NS, NCHUNK, CHUNK)

    x2 = x.reshape(N, 2, HALF).transpose(1, 0, 2).reshape(2 * N, HALF)

    b = lambda a: a.reshape(1, D)

    z = _sc_agg(x2, src_idx, dst_idx)
    h = _mlp01(z, l0_W1, b(l0_b1), b(l0_g), b(l0_beta), l0_W2, b(l0_b2))
    z = _sc_agg(h.reshape(2 * N, HALF), src_idx, dst_idx)
    h = _mlp01(z, l1_W1, b(l1_b1), b(l1_g), b(l1_beta), l1_W2, b(l1_b2))
    z = _sc_agg(h.reshape(2 * N, HALF), src_idx, dst_idx)
    return _mlp2(z, l2_W1, b(l2_b1), l2_W2, b(l2_b2))

# --- scband reference (transcript-rebuilt; emitter-appended) ---
"""Pipeline reference for scband-ginencoder-6983616824266 (READ-ONLY COPY).

The authoritative reference and input builder live on the scoring server;
editing this copy changes nothing except your own understanding.
"""

import jax, jax.numpy as jnp
import numpy as np

N = 10000
E = 160000
D = 256

def setup_inputs(seed: int = 0):
    key = jax.random.key(seed)
    ks = jax.random.split(key, 24)
    x = jax.random.normal(ks[0], (N, D), dtype=jnp.float32)
    edge_index = jax.random.randint(ks[1], (2, E), 0, N).astype(jnp.int64)
    s = 1.0 / np.sqrt(D)
    inp = {"x": x, "edge_index": edge_index}
    i = 2
    for l in range(3):
        inp[f"l{l}_W1"] = jax.random.normal(ks[i], (D, D), dtype=jnp.float32) * s; i += 1
        inp[f"l{l}_b1"] = jnp.zeros((D,), dtype=jnp.float32)
        inp[f"l{l}_W2"] = jax.random.normal(ks[i], (D, D), dtype=jnp.float32) * s; i += 1
        inp[f"l{l}_b2"] = jnp.zeros((D,), dtype=jnp.float32)
        if l < 2:
            inp[f"l{l}_g"] = jnp.ones((D,), dtype=jnp.float32)
            inp[f"l{l}_beta"] = jnp.zeros((D,), dtype=jnp.float32)
    return inp

def _bn(h, g, b):
    m = jnp.mean(h, axis=0)
    v = jnp.var(h, axis=0)
    return (h - m) / jnp.sqrt(v + 1e-5) * g + b

def reference(x, edge_index, l0_W1, l0_b1, l0_W2, l0_b2, l0_g, l0_beta,
              l1_W1, l1_b1, l1_W2, l1_b2, l1_g, l1_beta,
              l2_W1, l2_b1, l2_W2, l2_b2):
    src = edge_index[0]
    dst = edge_index[1]
    def agg(h):
        # GIN: (1 + eps) * x_i + sum_{j in N(i)} x_j, eps = 0
        return h + jax.ops.segment_sum(h[src], dst, num_segments=h.shape[0])
    # layer 0: Linear -> BN -> ReLU -> Linear -> ReLU
    z = agg(x)
    z = jnp.maximum(_bn(z @ l0_W1 + l0_b1, l0_g, l0_beta), 0.0)
    h = jnp.maximum(z @ l0_W2 + l0_b2, 0.0)
    # layer 1: Linear -> BN -> ReLU -> Linear -> ReLU
    z = agg(h)
    z = jnp.maximum(_bn(z @ l1_W1 + l1_b1, l1_g, l1_beta), 0.0)
    h = jnp.maximum(z @ l1_W2 + l1_b2, 0.0)
    # layer 2 (last): Linear -> Linear
    z = agg(h)
    h = (z @ l2_W1 + l2_b1) @ l2_W2 + l2_b2
    return h

if __name__ == "__main__":
    import jax
    _d = setup_inputs()
    print(jax.jit(kernel)(*tuple(_d.values())))

</pallas_src>

<mosaic_0001>
#map = affine_map<(d0, d1) -> (0, 0)>
#map1 = affine_map<(d0, d1) -> (0, 0, 0, 0)>
#map2 = affine_map<(d0, d1) -> (0, 0, 0)>
module attributes {stable_mosaic.version = 14 : i64} {
  func.func @_agg_body(%arg0: i32, %arg1: i32, %arg2: memref<20000x128xf32, #tpu.memory_space<hbm>>, %arg3: memref<2x16x80x128xi32, #tpu.memory_space<hbm>>, %arg4: memref<16x80x128xi32, #tpu.memory_space<hbm>>, %arg5: memref<20000x128xf32, #tpu.memory_space<hbm>>, %arg6: memref<40x128xi32, #tpu.memory_space<vmem>>, %arg7: memref<40x128xi32, #tpu.memory_space<vmem>>, %arg8: memref<128x128xf32, #tpu.memory_space<vmem>>, %arg9: memref<128x128xf32, #tpu.memory_space<vmem>>, %arg10: memref<10016x128xf32, #tpu.memory_space<vmem_shared>>, %arg11: memref<!tpu.dma_semaphore, #tpu.memory_space<semaphore_mem>>, %arg12: memref<!tpu.dma_semaphore, #tpu.memory_space<semaphore_mem>>, %arg13: memref<!tpu.dma_semaphore, #tpu.memory_space<semaphore_mem>>, %arg14: memref<!tpu.dma_semaphore, #tpu.memory_space<semaphore_mem>>) attributes {dimension_semantics = [#tpu.dimension_semantics<core_parallel>, #tpu.dimension_semantics<subcore_parallel>], iteration_bounds = array<i64: 2, 16>, scalar_prefetch = 0 : i64, scratch_operands = 9 : i64, tpu.core_type = #tpu.core_type<sc_vector_subcore>, window_params = [{transform_indices = #map}, {transform_indices = #map1}, {transform_indices = #map2}, {transform_indices = #map}]} {
    %lt3A = arith.constant 15 : i32
    %lt3A_0 = arith.cmpi slt, %arg1, %lt3A : i32
    %convert_element_type3A = arith.extui %lt3A_0 : i1 to i32
    %cond3A = arith.constant 0 : i32
    %cond3A_1 = arith.cmpi ne, %convert_element_type3A, %cond3A : i32
    scf.if %cond3A_1 {
      %mul3A = arith.constant 10000 : i32
      %mul3A_53 = arith.muli %arg0, %mul3A : i32
      %mul3A_54 = arith.constant 624 : i32
      %mul3A_55 = arith.muli %arg1, %mul3A_54 : i32
      %add3A = arith.addi %mul3A_53, %mul3A_55 : i32
      %mul3A_56 = arith.constant 624 : i32
      %mul3A_57 = arith.muli %arg1, %mul3A_56 : i32
      "tpu.region"() ({
        %run_scoped3A = tpu.sem_alloc : memref<!tpu.dma_semaphore, #tpu.memory_space<semaphore_mem>>
        %dma_start3A_58 = arith.constant 0 : i32
        %dma_start3A_59 = tpu.memref_slice %arg10[%mul3A_57, %dma_start3A_58] : memref<10016x128xf32, #tpu.memory_space<vmem_shared>> -> memref<624x128xf32, #tpu.memory_space<vmem_shared>>
        %dma_start3A_60 = arith.constant 0 : i32
        %dma_start3A_61 = tpu.memref_slice %arg2[%add3A, %dma_start3A_60] : memref<20000x128xf32, #tpu.memory_space<hbm>> -> memref<624x128xf32, #tpu.memory_space<hbm>>
        tpu.enqueue_dma source(%dma_start3A_61 : memref<624x128xf32, #tpu.memory_space<hbm>>) target(%dma_start3A_59 : memref<624x128xf32, #tpu.memory_space<vmem_shared>>) target_semaphore(%run_scoped3A : memref<!tpu.dma_semaphore, #tpu.memory_space<semaphore_mem>>)
        %dma_wait3A = arith.constant 0 : i32
        %dma_wait3A_62 = tpu.memref_slice %arg10[%mul3A_57, %dma_wait3A] : memref<10016x128xf32, #tpu.memory_space<vmem_shared>> -> memref<624x128xf32, #tpu.memory_space<vmem_shared>>
        %dma_wait3A_63 = arith.constant 0 : i32
        %dma_wait3A_64 = tpu.memref_slice %arg2[%add3A, %dma_wait3A_63] : memref<20000x128xf32, #tpu.memory_space<hbm>> -> memref<624x128xf32, #tpu.memory_space<hbm>>
        tpu.wait_dma2 semaphore(%run_scoped3A : memref<!tpu.dma_semaphore, #tpu.memory_space<semaphore_mem>>) src(%dma_wait3A_64 : memref<624x128xf32, #tpu.memory_space<hbm>>) dst(%dma_wait3A_62 : memref<624x128xf32, #tpu.memory_space<vmem_shared>>)
        tpu.yield
      }) : () -> ()
    } else {
    }
    %eq3A = arith.constant 15 : i32
    %eq3A_2 = arith.cmpi eq, %arg1, %eq3A : i32
    %convert_element_type3A_3 = arith.extui %eq3A_2 : i1 to i32
    %cond3A_4 = arith.constant 0 : i32
    %cond3A_5 = arith.cmpi ne, %convert_element_type3A_3, %cond3A_4 : i32
    scf.if %cond3A_5 {
      %mul3A = arith.constant 10000 : i32
      %mul3A_53 = arith.muli %arg0, %mul3A : i32
      %add3A = arith.constant 9360 : i32
      %add3A_54 = arith.addi %mul3A_53, %add3A : i32
      "tpu.region"() ({
        %run_scoped3A = tpu.sem_alloc : memref<!tpu.dma_semaphore, #tpu.memory_space<semaphore_mem>>
        %dma_start3A_55 = arith.constant 9360 : i32
        %dma_start3A_56 = arith.constant 0 : i32
        %dma_start3A_57 = tpu.memref_slice %arg10[%dma_start3A_55, %dma_start3A_56] : memref<10016x128xf32, #tpu.memory_space<vmem_shared>> -> memref<640x128xf32, #tpu.memory_space<vmem_shared>>
        %dma_start3A_58 = arith.constant 0 : i32
        %dma_start3A_59 = tpu.memref_slice %arg2[%add3A_54, %dma_start3A_58] : memref<20000x128xf32, #tpu.memory_space<hbm>> -> memref<640x128xf32, #tpu.memory_space<hbm>>
        tpu.enqueue_dma source(%dma_start3A_59 : memref<640x128xf32, #tpu.memory_space<hbm>>) target(%dma_start3A_57 : memref<640x128xf32, #tpu.memory_space<vmem_shared>>) target_semaphore(%run_scoped3A : memref<!tpu.dma_semaphore, #tpu.memory_space<semaphore_mem>>)
        %dma_wait3A = arith.constant 9360 : i32
        %dma_wait3A_60 = arith.constant 0 : i32
        %dma_wait3A_61 = tpu.memref_slice %arg10[%dma_wait3A, %dma_wait3A_60] : memref<10016x128xf32, #tpu.memory_space<vmem_shared>> -> memref<640x128xf32, #tpu.memory_space<vmem_shared>>
        %dma_wait3A_62 = arith.constant 0 : i32
        %dma_wait3A_63 = tpu.memref_slice %arg2[%add3A_54, %dma_wait3A_62] : memref<20000x128xf32, #tpu.memory_space<hbm>> -> memref<640x128xf32, #tpu.memory_space<hbm>>
        tpu.wait_dma2 semaphore(%run_scoped3A : memref<!tpu.dma_semaphore, #tpu.memory_space<semaphore_mem>>) src(%dma_wait3A_63 : memref<640x128xf32, #tpu.memory_space<hbm>>) dst(%dma_wait3A_61 : memref<640x128xf32, #tpu.memory_space<vmem_shared>>)
        tpu.yield
      }) : () -> ()
    } else {
    }
    %barrier3A = arith.constant 0 : index
    tpu.barrier barrier_id(%barrier3A)
    "tpu.region"() ({
      %run_scoped3A = tpu.sem_alloc : memref<!tpu.dma_semaphore, #tpu.memory_space<semaphore_mem>>
      %dma_start3A_53 = arith.constant 0 : i32
      %dma_start3A_54 = arith.constant 0 : i32
      %dma_start3A_55 = tpu.memref_slice %arg3[%arg0, %arg1, %dma_start3A_53, %dma_start3A_54] : memref<2x16x80x128xi32, #tpu.memory_space<hbm>> -> memref<1x1x40x128xi32, #tpu.memory_space<hbm>>
      %dma_start3A_56 = tpu.memref_squeeze %dma_start3A_55 : memref<1x1x40x128xi32, #tpu.memory_space<hbm>> -> memref<40x128xi32, #tpu.memory_space<hbm>>
      %dma_start3A_57 = arith.constant 0 : i32
      %dma_start3A_58 = arith.constant 0 : i32
      %dma_start3A_59 = tpu.memref_slice %arg3[%arg0, %arg1, %dma_start3A_57, %dma_start3A_58] : memref<2x16x80x128xi32, #tpu.memory_space<hbm>> -> memref<1x1x40x128xi32, #tpu.memory_space<hbm>>
      %dma_start3A_60 = tpu.memref_squeeze %dma_start3A_59 : memref<1x1x40x128xi32, #tpu.memory_space<hbm>> -> memref<40x128xi32, #tpu.memory_space<hbm>>
      tpu.enqueue_dma source(%dma_start3A_60 : memref<40x128xi32, #tpu.memory_space<hbm>>) target(%arg6 : memref<40x128xi32, #tpu.memory_space<vmem>>) target_semaphore(%run_scoped3A : memref<!tpu.dma_semaphore, #tpu.memory_space<semaphore_mem>>)
      %dma_wait3A = arith.constant 0 : i32
      %dma_wait3A_61 = arith.constant 0 : i32
      %dma_wait3A_62 = tpu.memref_slice %arg3[%arg0, %arg1, %dma_wait3A, %dma_wait3A_61] : memref<2x16x80x128xi32, #tpu.memory_space<hbm>> -> memref<1x1x40x128xi32, #tpu.memory_space<hbm>>
      %dma_wait3A_63 = tpu.memref_squeeze %dma_wait3A_62 : memref<1x1x40x128xi32, #tpu.memory_space<hbm>> -> memref<40x128xi32, #tpu.memory_space<hbm>>
      %dma_wait3A_64 = arith.constant 0 : i32
      %dma_wait3A_65 = arith.constant 0 : i32
      %dma_wait3A_66 = tpu.memref_slice %arg3[%arg0, %arg1, %dma_wait3A_64, %dma_wait3A_65] : memref<2x16x80x128xi32, #tpu.memory_space<hbm>> -> memref<1x1x40x128xi32, #tpu.memory_space<hbm>>
      %dma_wait3A_67 = tpu.memref_squeeze %dma_wait3A_66 : memref<1x1x40x128xi32, #tpu.memory_space<hbm>> -> memref<40x128xi32, #tpu.memory_space<hbm>>
      tpu.wait_dma2 semaphore(%run_scoped3A : memref<!tpu.dma_semaphore, #tpu.memory_space<semaphore_mem>>) src(%dma_wait3A_67 : memref<40x128xi32, #tpu.memory_space<hbm>>) dst(%arg6 : memref<40x128xi32, #tpu.memory_space<vmem>>)
      tpu.yield
    }) : () -> ()
    "tpu.region"() ({
      %run_scoped3A = tpu.sem_alloc : memref<!tpu.dma_semaphore, #tpu.memory_space<semaphore_mem>>
      %dma_start3A_53 = arith.constant 0 : i32
      %dma_start3A_54 = arith.constant 0 : i32
      %dma_start3A_55 = tpu.memref_slice %arg4[%arg1, %dma_start3A_53, %dma_start3A_54] : memref<16x80x128xi32, #tpu.memory_space<hbm>> -> memref<1x40x128xi32, #tpu.memory_space<hbm>>
      %dma_start3A_56 = tpu.memref_squeeze %dma_start3A_55 : memref<1x40x128xi32, #tpu.memory_space<hbm>> -> memref<40x128xi32, #tpu.memory_space<hbm>>
      %dma_start3A_57 = arith.constant 0 : i32
      %dma_start3A_58 = arith.constant 0 : i32
      %dma_start3A_59 = tpu.memref_slice %arg4[%arg1, %dma_start3A_57, %dma_start3A_58] : memref<16x80x128xi32, #tpu.memory_space<hbm>> -> memref<1x40x128xi32, #tpu.memory_space<hbm>>
      %dma_start3A_60 = tpu.memref_squeeze %dma_start3A_59 : memref<1x40x128xi32, #tpu.memory_space<hbm>> -> memref<40x128xi32, #tpu.memory_space<hbm>>
      tpu.enqueue_dma source(%dma_start3A_60 : memref<40x128xi32, #tpu.memory_space<hbm>>) target(%arg7 : memref<40x128xi32, #tpu.memory_space<vmem>>) target_semaphore(%run_scoped3A : memref<!tpu.dma_semaphore, #tpu.memory_space<semaphore_mem>>)
      %dma_wait3A = arith.constant 0 : i32
      %dma_wait3A_61 = arith.constant 0 : i32
      %dma_wait3A_62 = tpu.memref_slice %arg4[%arg1, %dma_wait3A, %dma_wait3A_61] : memref<16x80x128xi32, #tpu.memory_space<hbm>> -> memref<1x40x128xi32, #tpu.memory_space<hbm>>
      %dma_wait3A_63 = tpu.memref_squeeze %dma_wait3A_62 : memref<1x40x128xi32, #tpu.memory_space<hbm>> -> memref<40x128xi32, #tpu.memory_space<hbm>>
      %dma_wait3A_64 = arith.constant 0 : i32
      %dma_wait3A_65 = arith.constant 0 : i32
      %dma_wait3A_66 = tpu.memref_slice %arg4[%arg1, %dma_wait3A_64, %dma_wait3A_65] : memref<16x80x128xi32, #tpu.memory_space<hbm>> -> memref<1x40x128xi32, #tpu.memory_space<hbm>>
      %dma_wait3A_67 = tpu.memref_squeeze %dma_wait3A_66 : memref<1x40x128xi32, #tpu.memory_space<hbm>> -> memref<40x128xi32, #tpu.memory_space<hbm>>
      tpu.wait_dma2 semaphore(%run_scoped3A : memref<!tpu.dma_semaphore, #tpu.memory_space<semaphore_mem>>) src(%dma_wait3A_67 : memref<40x128xi32, #tpu.memory_space<hbm>>) dst(%arg7 : memref<40x128xi32, #tpu.memory_space<vmem>>)
      tpu.yield
    }) : () -> ()
    %dma_start3A = arith.constant 0 : i32
    %dma_start3A_6 = arith.constant 0 : i32
    %dma_start3A_7 = tpu.memref_slice %arg6[%dma_start3A, %dma_start3A_6] : memref<40x128xi32, #tpu.memory_space<vmem>> -> memref<1x128xi32, #tpu.memory_space<vmem>>
    %dma_start3A_8 = tpu.memref_squeeze %dma_start3A_7 : memref<1x128xi32, #tpu.memory_space<vmem>> -> memref<128xi32, #tpu.memory_space<vmem>>
    %dma_start3A_9 = arith.constant 0 : i32
    %dma_start3A_10 = arith.constant 0 : i32
    %dma_start3A_11 = tpu.memref_slice %arg2[%dma_start3A_9, %dma_start3A_10] : memref<20000x128xf32, #tpu.memory_space<hbm>> -> memref<20000x128xf32, #tpu.memory_space<hbm>>
    tpu.enqueue_indirect_dma source(%dma_start3A_11 : memref<20000x128xf32, #tpu.memory_space<hbm>>) target(%arg8 : memref<128x128xf32, #tpu.memory_space<vmem>>) offsets(%dma_start3A_8 : memref<128xi32, #tpu.memory_space<vmem>>) semaphore(%arg11 : memref<!tpu.dma_semaphore, #tpu.memory_space<semaphore_mem>>)
    %dma_start3A_12 = arith.constant 1 : i32
    %dma_start3A_13 = arith.constant 0 : i32
    %dma_start3A_14 = tpu.memref_slice %arg6[%dma_start3A_12, %dma_start3A_13] : memref<40x128xi32, #tpu.memory_space<vmem>> -> memref<1x128xi32, #tpu.memory_space<vmem>>
    %dma_start3A_15 = tpu.memref_squeeze %dma_start3A_14 : memref<1x128xi32, #tpu.memory_space<vmem>> -> memref<128xi32, #tpu.memory_space<vmem>>
    %dma_start3A_16 = arith.constant 0 : i32
    %dma_start3A_17 = arith.constant 0 : i32
    %dma_start3A_18 = tpu.memref_slice %arg2[%dma_start3A_16, %dma_start3A_17] : memref<20000x128xf32, #tpu.memory_space<hbm>> -> memref<20000x128xf32, #tpu.memory_space<hbm>>
    tpu.enqueue_indirect_dma source(%dma_start3A_18 : memref<20000x128xf32, #tpu.memory_space<hbm>>) target(%arg9 : memref<128x128xf32, #tpu.memory_space<vmem>>) offsets(%dma_start3A_15 : memref<128xi32, #tpu.memory_space<vmem>>) semaphore(%arg12 : memref<!tpu.dma_semaphore, #tpu.memory_space<semaphore_mem>>)
    %scan3A = arith.constant 0 : i32
    %scan3A_19 = arith.constant 20 : i32
    %scan3A_20 = arith.addi %scan3A, %scan3A_19 : i32
    %scan3A_21 = arith.constant 1 : i32
    scf.for %scan3A_53 = %scan3A to %scan3A_20 step %scan3A_21  : i32 {
      %mul3A = arith.constant 2 : i32
      %mul3A_54 = arith.muli %scan3A_53, %mul3A : i32
      %add3A = arith.constant 0 : i32
      %add3A_55 = arith.addi %add3A, %mul3A_54 : i32
      %dma_wait3A = arith.constant 0 : i32
      %dma_wait3A_56 = tpu.memref_slice %arg6[%add3A_55, %dma_wait3A] : memref<40x128xi32, #tpu.memory_space<vmem>> -> memref<1x128xi32, #tpu.memory_space<vmem>>
      %dma_wait3A_57 = tpu.memref_squeeze %dma_wait3A_56 : memref<1x128xi32, #tpu.memory_space<vmem>> -> memref<128xi32, #tpu.memory_space<vmem>>
      %dma_wait3A_58 = arith.constant 0 : i32
      %dma_wait3A_59 = arith.constant 0 : i32
      %dma_wait3A_60 = tpu.memref_slice %arg2[%dma_wait3A_58, %dma_wait3A_59] : memref<20000x128xf32, #tpu.memory_space<hbm>> -> memref<20000x128xf32, #tpu.memory_space<hbm>>
      tpu.wait_indirect_dma semaphore(%arg11 : memref<!tpu.dma_semaphore, #tpu.memory_space<semaphore_mem>>) src(%dma_wait3A_60 : memref<20000x128xf32, #tpu.memory_space<hbm>>) dst(%arg8 : memref<128x128xf32, #tpu.memory_space<vmem>>)
      "tpu.region"() ({
        %run_scoped3A = tpu.sem_alloc : memref<!tpu.dma_semaphore, #tpu.memory_space<semaphore_mem>>
        %dma_start3A_85 = arith.constant 0 : i32
        %dma_start3A_86 = tpu.memref_slice %arg7[%add3A_55, %dma_start3A_85] : memref<40x128xi32, #tpu.memory_space<vmem>> -> memref<1x128xi32, #tpu.memory_space<vmem>>
        %dma_start3A_87 = tpu.memref_squeeze %dma_start3A_86 : memref<1x128xi32, #tpu.memory_space<vmem>> -> memref<128xi32, #tpu.memory_space<vmem>>
        %dma_start3A_88 = arith.constant 0 : i32
        %dma_start3A_89 = arith.constant 0 : i32
        %dma_start3A_90 = tpu.memref_slice %arg10[%dma_start3A_88, %dma_start3A_89] : memref<10016x128xf32, #tpu.memory_space<vmem_shared>> -> memref<10016x128xf32, #tpu.memory_space<vmem_shared>>
        tpu.enqueue_indirect_dma source(%arg8 : memref<128x128xf32, #tpu.memory_space<vmem>>) target(%dma_start3A_90 : memref<10016x128xf32, #tpu.memory_space<vmem_shared>>) offsets(%dma_start3A_87 : memref<128xi32, #tpu.memory_space<vmem>>) semaphore(%run_scoped3A : memref<!tpu.dma_semaphore, #tpu.memory_space<semaphore_mem>>) {add = true}
        %dma_wait3A_91 = arith.constant 0 : i32
        %dma_wait3A_92 = tpu.memref_slice %arg7[%add3A_55, %dma_wait3A_91] : memref<40x128xi32, #tpu.memory_space<vmem>> -> memref<1x128xi32, #tpu.memory_space<vmem>>
        %dma_wait3A_93 = tpu.memref_squeeze %dma_wait3A_92 : memref<1x128xi32, #tpu.memory_space<vmem>> -> memref<128xi32, #tpu.memory_space<vmem>>
        %dma_wait3A_94 = arith.constant 0 : i32
        %dma_wait3A_95 = arith.constant 0 : i32
        %dma_wait3A_96 = tpu.memref_slice %arg10[%dma_wait3A_94, %dma_wait3A_95] : memref<10016x128xf32, #tpu.memory_space<vmem_shared>> -> memref<10016x128xf32, #tpu.memory_space<vmem_shared>>
        tpu.wait_indirect_dma semaphore(%run_scoped3A : memref<!tpu.dma_semaphore, #tpu.memory_space<semaphore_mem>>) src(%arg8 : memref<128x128xf32, #tpu.memory_space<vmem>>) dst(%dma_wait3A_96 : memref<10016x128xf32, #tpu.memory_space<vmem_shared>>)
        tpu.yield
      }) : () -> ()
      %add3A_61 = arith.constant 2 : i32
      %add3A_62 = arith.addi %add3A_55, %add3A_61 : i32
      %lt3A_63 = arith.constant 40 : i32
      %lt3A_64 = arith.cmpi slt, %add3A_62, %lt3A_63 : i32
      %convert_element_type3A_65 = arith.extui %lt3A_64 : i1 to i32
      %cond3A_66 = arith.constant 0 : i32
      %cond3A_67 = arith.cmpi ne, %convert_element_type3A_65, %cond3A_66 : i32
      scf.if %cond3A_67 {
        %add3A_85 = arith.constant 2 : i32
        %add3A_86 = arith.addi %add3A_55, %add3A_85 : i32
        %dma_start3A_87 = arith.constant 0 : i32
        %dma_start3A_88 = tpu.memref_slice %arg6[%add3A_86, %dma_start3A_87] : memref<40x128xi32, #tpu.memory_space<vmem>> -> memref<1x128xi32, #tpu.memory_space<vmem>>
        %dma_start3A_89 = tpu.memref_squeeze %dma_start3A_88 : memref<1x128xi32, #tpu.memory_space<vmem>> -> memref<128xi32, #tpu.memory_space<vmem>>
        %dma_start3A_90 = arith.constant 0 : i32
        %dma_start3A_91 = arith.constant 0 : i32
        %dma_start3A_92 = tpu.memref_slice %arg2[%dma_start3A_90, %dma_start3A_91] : memref<20000x128xf32, #tpu.memory_space<hbm>> -> memref<20000x128xf32, #tpu.memory_space<hbm>>
        tpu.enqueue_indirect_dma source(%dma_start3A_92 : memref<20000x128xf32, #tpu.memory_space<hbm>>) target(%arg8 : memref<128x128xf32, #tpu.memory_space<vmem>>) offsets(%dma_start3A_89 : memref<128xi32, #tpu.memory_space<vmem>>) semaphore(%arg11 : memref<!tpu.dma_semaphore, #tpu.memory_space<semaphore_mem>>)
      } else {
      }
      %add3A_68 = arith.constant 1 : i32
      %add3A_69 = arith.addi %add3A_55, %add3A_68 : i32
      %dma_wait3A_70 = arith.constant 0 : i32
      %dma_wait3A_71 = tpu.memref_slice %arg6[%add3A_69, %dma_wait3A_70] : memref<40x128xi32, #tpu.memory_space<vmem>> -> memref<1x128xi32, #tpu.memory_space<vmem>>
      %dma_wait3A_72 = tpu.memref_squeeze %dma_wait3A_71 : memref<1x128xi32, #tpu.memory_space<vmem>> -> memref<128xi32, #tpu.memory_space<vmem>>
      %dma_wait3A_73 = arith.constant 0 : i32
      %dma_wait3A_74 = arith.constant 0 : i32
      %dma_wait3A_75 = tpu.memref_slice %arg2[%dma_wait3A_73, %dma_wait3A_74] : memref<20000x128xf32, #tpu.memory_space<hbm>> -> memref<20000x128xf32, #tpu.memory_space<hbm>>
      tpu.wait_indirect_dma semaphore(%arg12 : memref<!tpu.dma_semaphore, #tpu.memory_space<semaphore_mem>>) src(%dma_wait3A_75 : memref<20000x128xf32, #tpu.memory_space<hbm>>) dst(%arg9 : memref<128x128xf32, #tpu.memory_space<vmem>>)
      %add3A_76 = arith.constant 1 : i32
      %add3A_77 = arith.addi %add3A_55, %add3A_76 : i32
      "tpu.region"() ({
        %run_scoped3A = tpu.sem_alloc : memref<!tpu.dma_semaphore, #tpu.memory_space<semaphore_mem>>
        %dma_start3A_85 = arith.constant 0 : i32
        %dma_start3A_86 = tpu.memref_slice %arg7[%add3A_77, %dma_start3A_85] : memref<40x128xi32, #tpu.memory_space<vmem>> -> memref<1x128xi32, #tpu.memory_space<vmem>>
        %dma_start3A_87 = tpu.memref_squeeze %dma_start3A_86 : memref<1x128xi32, #tpu.memory_space<vmem>> -> memref<128xi32, #tpu.memory_space<vmem>>
        %dma_start3A_88 = arith.constant 0 : i32
        %dma_start3A_89 = arith.constant 0 : i32
        %dma_start3A_90 = tpu.memref_slice %arg10[%dma_start3A_88, %dma_start3A_89] : memref<10016x128xf32, #tpu.memory_space<vmem_shared>> -> memref<10016x128xf32, #tpu.memory_space<vmem_shared>>
        tpu.enqueue_indirect_dma source(%arg9 : memref<128x128xf32, #tpu.memory_space<vmem>>) target(%dma_start3A_90 : memref<10016x128xf32, #tpu.memory_space<vmem_shared>>) offsets(%dma_start3A_87 : memref<128xi32, #tpu.memory_space<vmem>>) semaphore(%run_scoped3A : memref<!tpu.dma_semaphore, #tpu.memory_space<semaphore_mem>>) {add = true}
        %dma_wait3A_91 = arith.constant 0 : i32
        %dma_wait3A_92 = tpu.memref_slice %arg7[%add3A_77, %dma_wait3A_91] : memref<40x128xi32, #tpu.memory_space<vmem>> -> memref<1x128xi32, #tpu.memory_space<vmem>>
        %dma_wait3A_93 = tpu.memref_squeeze %dma_wait3A_92 : memref<1x128xi32, #tpu.memory_space<vmem>> -> memref<128xi32, #tpu.memory_space<vmem>>
        %dma_wait3A_94 = arith.constant 0 : i32
        %dma_wait3A_95 = arith.constant 0 : i32
        %dma_wait3A_96 = tpu.memref_slice %arg10[%dma_wait3A_94, %dma_wait3A_95] : memref<10016x128xf32, #tpu.memory_space<vmem_shared>> -> memref<10016x128xf32, #tpu.memory_space<vmem_shared>>
        tpu.wait_indirect_dma semaphore(%run_scoped3A : memref<!tpu.dma_semaphore, #tpu.memory_space<semaphore_mem>>) src(%arg9 : memref<128x128xf32, #tpu.memory_space<vmem>>) dst(%dma_wait3A_96 : memref<10016x128xf32, #tpu.memory_space<vmem_shared>>)
        tpu.yield
      }) : () -> ()
      %add3A_78 = arith.constant 3 : i32
      %add3A_79 = arith.addi %add3A_55, %add3A_78 : i32
      %lt3A_80 = arith.constant 40 : i32
      %lt3A_81 = arith.cmpi slt, %add3A_79, %lt3A_80 : i32
      %convert_element_type3A_82 = arith.extui %lt3A_81 : i1 to i32
      %cond3A_83 = arith.constant 0 : i32
      %cond3A_84 = arith.cmpi ne, %convert_element_type3A_82, %cond3A_83 : i32
      scf.if %cond3A_84 {
        %add3A_85 = arith.constant 3 : i32
        %add3A_86 = arith.addi %add3A_55, %add3A_85 : i32
        %dma_start3A_87 = arith.constant 0 : i32
        %dma_start3A_88 = tpu.memref_slice %arg6[%add3A_86, %dma_start3A_87] : memref<40x128xi32, #tpu.memory_space<vmem>> -> memref<1x128xi32, #tpu.memory_space<vmem>>
        %dma_start3A_89 = tpu.memref_squeeze %dma_start3A_88 : memref<1x128xi32, #tpu.memory_space<vmem>> -> memref<128xi32, #tpu.memory_space<vmem>>
        %dma_start3A_90 = arith.constant 0 : i32
        %dma_start3A_91 = arith.constant 0 : i32
        %dma_start3A_92 = tpu.memref_slice %arg2[%dma_start3A_90, %dma_start3A_91] : memref<20000x128xf32, #tpu.memory_space<hbm>> -> memref<20000x128xf32, #tpu.memory_space<hbm>>
        tpu.enqueue_indirect_dma source(%dma_start3A_92 : memref<20000x128xf32, #tpu.memory_space<hbm>>) target(%arg9 : memref<128x128xf32, #tpu.memory_space<vmem>>) offsets(%dma_start3A_89 : memref<128xi32, #tpu.memory_space<vmem>>) semaphore(%arg12 : memref<!tpu.dma_semaphore, #tpu.memory_space<semaphore_mem>>)
      } else {
      }
    }
    %scan3A_22 = arith.constant 20 : i32
    "tpu.region"() ({
      %run_scoped3A = tpu.sem_alloc : memref<!tpu.dma_semaphore, #tpu.memory_space<semaphore_mem>>
      %dma_start3A_53 = arith.constant 40 : i32
      %dma_start3A_54 = arith.constant 0 : i32
      %dma_start3A_55 = tpu.memref_slice %arg3[%arg0, %arg1, %dma_start3A_53, %dma_start3A_54] : memref<2x16x80x128xi32, #tpu.memory_space<hbm>> -> memref<1x1x40x128xi32, #tpu.memory_space<hbm>>
      %dma_start3A_56 = tpu.memref_squeeze %dma_start3A_55 : memref<1x1x40x128xi32, #tpu.memory_space<hbm>> -> memref<40x128xi32, #tpu.memory_space<hbm>>
      %dma_start3A_57 = arith.constant 40 : i32
      %dma_start3A_58 = arith.constant 0 : i32
      %dma_start3A_59 = tpu.memref_slice %arg3[%arg0, %arg1, %dma_start3A_57, %dma_start3A_58] : memref<2x16x80x128xi32, #tpu.memory_space<hbm>> -> memref<1x1x40x128xi32, #tpu.memory_space<hbm>>
      %dma_start3A_60 = tpu.memref_squeeze %dma_start3A_59 : memref<1x1x40x128xi32, #tpu.memory_space<hbm>> -> memref<40x128xi32, #tpu.memory_space<hbm>>
      tpu.enqueue_dma source(%dma_start3A_60 : memref<40x128xi32, #tpu.memory_space<hbm>>) target(%arg6 : memref<40x128xi32, #tpu.memory_space<vmem>>) target_semaphore(%run_scoped3A : memref<!tpu.dma_semaphore, #tpu.memory_space<semaphore_mem>>)
      %dma_wait3A = arith.constant 40 : i32
      %dma_wait3A_61 = arith.constant 0 : i32
      %dma_wait3A_62 = tpu.memref_slice %arg3[%arg0, %arg1, %dma_wait3A, %dma_wait3A_61] : memref<2x16x80x128xi32, #tpu.memory_space<hbm>> -> memref<1x1x40x128xi32, #tpu.memory_space<hbm>>
      %dma_wait3A_63 = tpu.memref_squeeze %dma_wait3A_62 : memref<1x1x40x128xi32, #tpu.memory_space<hbm>> -> memref<40x128xi32, #tpu.memory_space<hbm>>
      %dma_wait3A_64 = arith.constant 40 : i32
      %dma_wait3A_65 = arith.constant 0 : i32
      %dma_wait3A_66 = tpu.memref_slice %arg3[%arg0, %arg1, %dma_wait3A_64, %dma_wait3A_65] : memref<2x16x80x128xi32, #tpu.memory_space<hbm>> -> memref<1x1x40x128xi32, #tpu.memory_space<hbm>>
      %dma_wait3A_67 = tpu.memref_squeeze %dma_wait3A_66 : memref<1x1x40x128xi32, #tpu.memory_space<hbm>> -> memref<40x128xi32, #tpu.memory_space<hbm>>
      tpu.wait_dma2 semaphore(%run_scoped3A : memref<!tpu.dma_semaphore, #tpu.memory_space<semaphore_mem>>) src(%dma_wait3A_67 : memref<40x128xi32, #tpu.memory_space<hbm>>) dst(%arg6 : memref<40x128xi32, #tpu.memory_space<vmem>>)
      tpu.yield
    }) : () -> ()
    "tpu.region"() ({
      %run_scoped3A = tpu.sem_alloc : memref<!tpu.dma_semaphore, #tpu.memory_space<semaphore_mem>>
      %dma_start3A_53 = arith.constant 40 : i32
      %dma_start3A_54 = arith.constant 0 : i32
      %dma_start3A_55 = tpu.memref_slice %arg4[%arg1, %dma_start3A_53, %dma_start3A_54] : memref<16x80x128xi32, #tpu.memory_space<hbm>> -> memref<1x40x128xi32, #tpu.memory_space<hbm>>
      %dma_start3A_56 = tpu.memref_squeeze %dma_start3A_55 : memref<1x40x128xi32, #tpu.memory_space<hbm>> -> memref<40x128xi32, #tpu.memory_space<hbm>>
      %dma_start3A_57 = arith.constant 40 : i32
      %dma_start3A_58 = arith.constant 0 : i32
      %dma_start3A_59 = tpu.memref_slice %arg4[%arg1, %dma_start3A_57, %dma_start3A_58] : memref<16x80x128xi32, #tpu.memory_space<hbm>> -> memref<1x40x128xi32, #tpu.memory_space<hbm>>
      %dma_start3A_60 = tpu.memref_squeeze %dma_start3A_59 : memref<1x40x128xi32, #tpu.memory_space<hbm>> -> memref<40x128xi32, #tpu.memory_space<hbm>>
      tpu.enqueue_dma source(%dma_start3A_60 : memref<40x128xi32, #tpu.memory_space<hbm>>) target(%arg7 : memref<40x128xi32, #tpu.memory_space<vmem>>) target_semaphore(%run_scoped3A : memref<!tpu.dma_semaphore, #tpu.memory_space<semaphore_mem>>)
      %dma_wait3A = arith.constant 40 : i32
      %dma_wait3A_61 = arith.constant 0 : i32
      %dma_wait3A_62 = tpu.memref_slice %arg4[%arg1, %dma_wait3A, %dma_wait3A_61] : memref<16x80x128xi32, #tpu.memory_space<hbm>> -> memref<1x40x128xi32, #tpu.memory_space<hbm>>
      %dma_wait3A_63 = tpu.memref_squeeze %dma_wait3A_62 : memref<1x40x128xi32, #tpu.memory_space<hbm>> -> memref<40x128xi32, #tpu.memory_space<hbm>>
      %dma_wait3A_64 = arith.constant 40 : i32
      %dma_wait3A_65 = arith.constant 0 : i32
      %dma_wait3A_66 = tpu.memref_slice %arg4[%arg1, %dma_wait3A_64, %dma_wait3A_65] : memref<16x80x128xi32, #tpu.memory_space<hbm>> -> memref<1x40x128xi32, #tpu.memory_space<hbm>>
      %dma_wait3A_67 = tpu.memref_squeeze %dma_wait3A_66 : memref<1x40x128xi32, #tpu.memory_space<hbm>> -> memref<40x128xi32, #tpu.memory_space<hbm>>
      tpu.wait_dma2 semaphore(%run_scoped3A : memref<!tpu.dma_semaphore, #tpu.memory_space<semaphore_mem>>) src(%dma_wait3A_67 : memref<40x128xi32, #tpu.memory_space<hbm>>) dst(%arg7 : memref<40x128xi32, #tpu.memory_space<vmem>>)
      tpu.yield
    }) : () -> ()
    %dma_start3A_23 = arith.constant 0 : i32
    %dma_start3A_24 = arith.constant 0 : i32
    %dma_start3A_25 = tpu.memref_slice %arg6[%dma_start3A_23, %dma_start3A_24] : memref<40x128xi32, #tpu.memory_space<vmem>> -> memref<1x128xi32, #tpu.memory_space<vmem>>
    %dma_start3A_26 = tpu.memref_squeeze %dma_start3A_25 : memref<1x128xi32, #tpu.memory_space<vmem>> -> memref<128xi32, #tpu.memory_space<vmem>>
    %dma_start3A_27 = arith.constant 0 : i32
    %dma_start3A_28 = arith.constant 0 : i32
    %dma_start3A_29 = tpu.memref_slice %arg2[%dma_start3A_27, %dma_start3A_28] : memref<20000x128xf32, #tpu.memory_space<hbm>> -> memref<20000x128xf32, #tpu.memory_space<hbm>>
    tpu.enqueue_indirect_dma source(%dma_start3A_29 : memref<20000x128xf32, #tpu.memory_space<hbm>>) target(%arg8 : memref<128x128xf32, #tpu.memory_space<vmem>>) offsets(%dma_start3A_26 : memref<128xi32, #tpu.memory_space<vmem>>) semaphore(%arg11 : memref<!tpu.dma_semaphore, #tpu.memory_space<semaphore_mem>>)
    %dma_start3A_30 = arith.constant 1 : i32
    %dma_start3A_31 = arith.constant 0 : i32
    %dma_start3A_32 = tpu.memref_slice %arg6[%dma_start3A_30, %dma_start3A_31] : memref<40x128xi32, #tpu.memory_space<vmem>> -> memref<1x128xi32, #tpu.memory_space<vmem>>
    %dma_start3A_33 = tpu.memref_squeeze %dma_start3A_32 : memref<1x128xi32, #tpu.memory_space<vmem>> -> memref<128xi32, #tpu.memory_space<vmem>>
    %dma_start3A_34 = arith.constant 0 : i32
    %dma_start3A_35 = arith.constant 0 : i32
    %dma_start3A_36 = tpu.memref_slice %arg2[%dma_start3A_34, %dma_start3A_35] : memref<20000x128xf32, #tpu.memory_space<hbm>> -> memref<20000x128xf32, #tpu.memory_space<hbm>>
    tpu.enqueue_indirect_dma source(%dma_start3A_36 : memref<20000x128xf32, #tpu.memory_space<hbm>>) target(%arg9 : memref<128x128xf32, #tpu.memory_space<vmem>>) offsets(%dma_start3A_33 : memref<128xi32, #tpu.memory_space<vmem>>) semaphore(%arg12 : memref<!tpu.dma_semaphore, #tpu.memory_space<semaphore_mem>>)
    %scan3A_37 = arith.constant 0 : i32
    %scan3A_38 = arith.constant 20 : i32
    %scan3A_39 = arith.addi %scan3A_37, %scan3A_38 : i32
    %scan3A_40 = arith.constant 1 : i32
    scf.for %scan3A_53 = %scan3A_37 to %scan3A_39 step %scan3A_40  : i32 {
      %mul3A = arith.constant 2 : i32
      %mul3A_54 = arith.muli %scan3A_53, %mul3A : i32
      %add3A = arith.constant 0 : i32
      %add3A_55 = arith.addi %add3A, %mul3A_54 : i32
      %dma_wait3A = arith.constant 0 : i32
      %dma_wait3A_56 = tpu.memref_slice %arg6[%add3A_55, %dma_wait3A] : memref<40x128xi32, #tpu.memory_space<vmem>> -> memref<1x128xi32, #tpu.memory_space<vmem>>
      %dma_wait3A_57 = tpu.memref_squeeze %dma_wait3A_56 : memref<1x128xi32, #tpu.memory_space<vmem>> -> memref<128xi32, #tpu.memory_space<vmem>>
      %dma_wait3A_58 = arith.constant 0 : i32
      %dma_wait3A_59 = arith.constant 0 : i32
      %dma_wait3A_60 = tpu.memref_slice %arg2[%dma_wait3A_58, %dma_wait3A_59] : memref<20000x128xf32, #tpu.memory_space<hbm>> -> memref<20000x128xf32, #tpu.memory_space<hbm>>
      tpu.wait_indirect_dma semaphore(%arg11 : memref<!tpu.dma_semaphore, #tpu.memory_space<semaphore_mem>>) src(%dma_wait3A_60 : memref<20000x128xf32, #tpu.memory_space<hbm>>) dst(%arg8 : memref<128x128xf32, #tpu.memory_space<vmem>>)
      "tpu.region"() ({
        %run_scoped3A = tpu.sem_alloc : memref<!tpu.dma_semaphore, #tpu.memory_space<semaphore_mem>>
        %dma_start3A_85 = arith.constant 0 : i32
        %dma_start3A_86 = tpu.memref_slice %arg7[%add3A_55, %dma_start3A_85] : memref<40x128xi32, #tpu.memory_space<vmem>> -> memref<1x128xi32, #tpu.memory_space<vmem>>
        %dma_start3A_87 = tpu.memref_squeeze %dma_start3A_86 : memref<1x128xi32, #tpu.memory_space<vmem>> -> memref<128xi32, #tpu.memory_space<vmem>>
        %dma_start3A_88 = arith.constant 0 : i32
        %dma_start3A_89 = arith.constant 0 : i32
        %dma_start3A_90 = tpu.memref_slice %arg10[%dma_start3A_88, %dma_start3A_89] : memref<10016x128xf32, #tpu.memory_space<vmem_shared>> -> memref<10016x128xf32, #tpu.memory_space<vmem_shared>>
        tpu.enqueue_indirect_dma source(%arg8 : memref<128x128xf32, #tpu.memory_space<vmem>>) target(%dma_start3A_90 : memref<10016x128xf32, #tpu.memory_space<vmem_shared>>) offsets(%dma_start3A_87 : memref<128xi32, #tpu.memory_space<vmem>>) semaphore(%run_scoped3A : memref<!tpu.dma_semaphore, #tpu.memory_space<semaphore_mem>>) {add = true}
        %dma_wait3A_91 = arith.constant 0 : i32
        %dma_wait3A_92 = tpu.memref_slice %arg7[%add3A_55, %dma_wait3A_91] : memref<40x128xi32, #tpu.memory_space<vmem>> -> memref<1x128xi32, #tpu.memory_space<vmem>>
        %dma_wait3A_93 = tpu.memref_squeeze %dma_wait3A_92 : memref<1x128xi32, #tpu.memory_space<vmem>> -> memref<128xi32, #tpu.memory_space<vmem>>
        %dma_wait3A_94 = arith.constant 0 : i32
        %dma_wait3A_95 = arith.constant 0 : i32
        %dma_wait3A_96 = tpu.memref_slice %arg10[%dma_wait3A_94, %dma_wait3A_95] : memref<10016x128xf32, #tpu.memory_space<vmem_shared>> -> memref<10016x128xf32, #tpu.memory_space<vmem_shared>>
        tpu.wait_indirect_dma semaphore(%run_scoped3A : memref<!tpu.dma_semaphore, #tpu.memory_space<semaphore_mem>>) src(%arg8 : memref<128x128xf32, #tpu.memory_space<vmem>>) dst(%dma_wait3A_96 : memref<10016x128xf32, #tpu.memory_space<vmem_shared>>)
        tpu.yield
      }) : () -> ()
      %add3A_61 = arith.constant 2 : i32
      %add3A_62 = arith.addi %add3A_55, %add3A_61 : i32
      %lt3A_63 = arith.constant 40 : i32
      %lt3A_64 = arith.cmpi slt, %add3A_62, %lt3A_63 : i32
      %convert_element_type3A_65 = arith.extui %lt3A_64 : i1 to i32
      %cond3A_66 = arith.constant 0 : i32
      %cond3A_67 = arith.cmpi ne, %convert_element_type3A_65, %cond3A_66 : i32
      scf.if %cond3A_67 {
        %add3A_85 = arith.constant 2 : i32
        %add3A_86 = arith.addi %add3A_55, %add3A_85 : i32
        %dma_start3A_87 = arith.constant 0 : i32
        %dma_start3A_88 = tpu.memref_slice %arg6[%add3A_86, %dma_start3A_87] : memref<40x128xi32, #tpu.memory_space<vmem>> -> memref<1x128xi32, #tpu.memory_space<vmem>>
        %dma_start3A_89 = tpu.memref_squeeze %dma_start3A_88 : memref<1x128xi32, #tpu.memory_space<vmem>> -> memref<128xi32, #tpu.memory_space<vmem>>
        %dma_start3A_90 = arith.constant 0 : i32
        %dma_start3A_91 = arith.constant 0 : i32
        %dma_start3A_92 = tpu.memref_slice %arg2[%dma_start3A_90, %dma_start3A_91] : memref<20000x128xf32, #tpu.memory_space<hbm>> -> memref<20000x128xf32, #tpu.memory_space<hbm>>
        tpu.enqueue_indirect_dma source(%dma_start3A_92 : memref<20000x128xf32, #tpu.memory_space<hbm>>) target(%arg8 : memref<128x128xf32, #tpu.memory_space<vmem>>) offsets(%dma_start3A_89 : memref<128xi32, #tpu.memory_space<vmem>>) semaphore(%arg11 : memref<!tpu.dma_semaphore, #tpu.memory_space<semaphore_mem>>)
      } else {
      }
      %add3A_68 = arith.constant 1 : i32
      %add3A_69 = arith.addi %add3A_55, %add3A_68 : i32
      %dma_wait3A_70 = arith.constant 0 : i32
      %dma_wait3A_71 = tpu.memref_slice %arg6[%add3A_69, %dma_wait3A_70] : memref<40x128xi32, #tpu.memory_space<vmem>> -> memref<1x128xi32, #tpu.memory_space<vmem>>
      %dma_wait3A_72 = tpu.memref_squeeze %dma_wait3A_71 : memref<1x128xi32, #tpu.memory_space<vmem>> -> memref<128xi32, #tpu.memory_space<vmem>>
      %dma_wait3A_73 = arith.constant 0 : i32
      %dma_wait3A_74 = arith.constant 0 : i32
      %dma_wait3A_75 = tpu.memref_slice %arg2[%dma_wait3A_73, %dma_wait3A_74] : memref<20000x128xf32, #tpu.memory_space<hbm>> -> memref<20000x128xf32, #tpu.memory_space<hbm>>
      tpu.wait_indirect_dma semaphore(%arg12 : memref<!tpu.dma_semaphore, #tpu.memory_space<semaphore_mem>>) src(%dma_wait3A_75 : memref<20000x128xf32, #tpu.memory_space<hbm>>) dst(%arg9 : memref<128x128xf32, #tpu.memory_space<vmem>>)
      %add3A_76 = arith.constant 1 : i32
      %add3A_77 = arith.addi %add3A_55, %add3A_76 : i32
      "tpu.region"() ({
        %run_scoped3A = tpu.sem_alloc : memref<!tpu.dma_semaphore, #tpu.memory_space<semaphore_mem>>
        %dma_start3A_85 = arith.constant 0 : i32
        %dma_start3A_86 = tpu.memref_slice %arg7[%add3A_77, %dma_start3A_85] : memref<40x128xi32, #tpu.memory_space<vmem>> -> memref<1x128xi32, #tpu.memory_space<vmem>>
        %dma_start3A_87 = tpu.memref_squeeze %dma_start3A_86 : memref<1x128xi32, #tpu.memory_space<vmem>> -> memref<128xi32, #tpu.memory_space<vmem>>
        %dma_start3A_88 = arith.constant 0 : i32
        %dma_start3A_89 = arith.constant 0 : i32
        %dma_start3A_90 = tpu.memref_slice %arg10[%dma_start3A_88, %dma_start3A_89] : memref<10016x128xf32, #tpu.memory_space<vmem_shared>> -> memref<10016x128xf32, #tpu.memory_space<vmem_shared>>
        tpu.enqueue_indirect_dma source(%arg9 : memref<128x128xf32, #tpu.memory_space<vmem>>) target(%dma_start3A_90 : memref<10016x128xf32, #tpu.memory_space<vmem_shared>>) offsets(%dma_start3A_87 : memref<128xi32, #tpu.memory_space<vmem>>) semaphore(%run_scoped3A : memref<!tpu.dma_semaphore, #tpu.memory_space<semaphore_mem>>) {add = true}
        %dma_wait3A_91 = arith.constant 0 : i32
        %dma_wait3A_92 = tpu.memref_slice %arg7[%add3A_77, %dma_wait3A_91] : memref<40x128xi32, #tpu.memory_space<vmem>> -> memref<1x128xi32, #tpu.memory_space<vmem>>
        %dma_wait3A_93 = tpu.memref_squeeze %dma_wait3A_92 : memref<1x128xi32, #tpu.memory_space<vmem>> -> memref<128xi32, #tpu.memory_space<vmem>>
        %dma_wait3A_94 = arith.constant 0 : i32
        %dma_wait3A_95 = arith.constant 0 : i32
        %dma_wait3A_96 = tpu.memref_slice %arg10[%dma_wait3A_94, %dma_wait3A_95] : memref<10016x128xf32, #tpu.memory_space<vmem_shared>> -> memref<10016x128xf32, #tpu.memory_space<vmem_shared>>
        tpu.wait_indirect_dma semaphore(%run_scoped3A : memref<!tpu.dma_semaphore, #tpu.memory_space<semaphore_mem>>) src(%arg9 : memref<128x128xf32, #tpu.memory_space<vmem>>) dst(%dma_wait3A_96 : memref<10016x128xf32, #tpu.memory_space<vmem_shared>>)
        tpu.yield
      }) : () -> ()
      %add3A_78 = arith.constant 3 : i32
      %add3A_79 = arith.addi %add3A_55, %add3A_78 : i32
      %lt3A_80 = arith.constant 40 : i32
      %lt3A_81 = arith.cmpi slt, %add3A_79, %lt3A_80 : i32
      %convert_element_type3A_82 = arith.extui %lt3A_81 : i1 to i32
      %cond3A_83 = arith.constant 0 : i32
      %cond3A_84 = arith.cmpi ne, %convert_element_type3A_82, %cond3A_83 : i32
      scf.if %cond3A_84 {
        %add3A_85 = arith.constant 3 : i32
        %add3A_86 = arith.addi %add3A_55, %add3A_85 : i32
        %dma_start3A_87 = arith.constant 0 : i32
        %dma_start3A_88 = tpu.memref_slice %arg6[%add3A_86, %dma_start3A_87] : memref<40x128xi32, #tpu.memory_space<vmem>> -> memref<1x128xi32, #tpu.memory_space<vmem>>
        %dma_start3A_89 = tpu.memref_squeeze %dma_start3A_88 : memref<1x128xi32, #tpu.memory_space<vmem>> -> memref<128xi32, #tpu.memory_space<vmem>>
        %dma_start3A_90 = arith.constant 0 : i32
        %dma_start3A_91 = arith.constant 0 : i32
        %dma_start3A_92 = tpu.memref_slice %arg2[%dma_start3A_90, %dma_start3A_91] : memref<20000x128xf32, #tpu.memory_space<hbm>> -> memref<20000x128xf32, #tpu.memory_space<hbm>>
        tpu.enqueue_indirect_dma source(%dma_start3A_92 : memref<20000x128xf32, #tpu.memory_space<hbm>>) target(%arg9 : memref<128x128xf32, #tpu.memory_space<vmem>>) offsets(%dma_start3A_89 : memref<128xi32, #tpu.memory_space<vmem>>) semaphore(%arg12 : memref<!tpu.dma_semaphore, #tpu.memory_space<semaphore_mem>>)
      } else {
      }
    }
    %scan3A_41 = arith.constant 20 : i32
    %barrier3A_42 = arith.constant 0 : index
    tpu.barrier barrier_id(%barrier3A_42)
    %lt3A_43 = arith.constant 15 : i32
    %lt3A_44 = arith.cmpi slt, %arg1, %lt3A_43 : i32
    %convert_element_type3A_45 = arith.extui %lt3A_44 : i1 to i32
    %cond3A_46 = arith.constant 0 : i32
    %cond3A_47 = arith.cmpi ne, %convert_element_type3A_45, %cond3A_46 : i32
    scf.if %cond3A_47 {
      %mul3A = arith.constant 624 : i32
      %mul3A_53 = arith.muli %arg1, %mul3A : i32
      %mul3A_54 = arith.constant 10000 : i32
      %mul3A_55 = arith.muli %arg0, %mul3A_54 : i32
      %mul3A_56 = arith.constant 624 : i32
      %mul3A_57 = arith.muli %arg1, %mul3A_56 : i32
      %add3A = arith.addi %mul3A_55, %mul3A_57 : i32
      "tpu.region"() ({
        %run_scoped3A = tpu.sem_alloc : memref<!tpu.dma_semaphore, #tpu.memory_space<semaphore_mem>>
        %dma_start3A_58 = arith.constant 0 : i32
        %dma_start3A_59 = tpu.memref_slice %arg5[%add3A, %dma_start3A_58] : memref<20000x128xf32, #tpu.memory_space<hbm>> -> memref<624x128xf32, #tpu.memory_space<hbm>>
        %dma_start3A_60 = arith.constant 0 : i32
        %dma_start3A_61 = tpu.memref_slice %arg10[%mul3A_53, %dma_start3A_60] : memref<10016x128xf32, #tpu.memory_space<vmem_shared>> -> memref<624x128xf32, #tpu.memory_space<vmem_shared>>
        tpu.enqueue_dma source(%dma_start3A_61 : memref<624x128xf32, #tpu.memory_space<vmem_shared>>) target(%dma_start3A_59 : memref<624x128xf32, #tpu.memory_space<hbm>>) target_semaphore(%run_scoped3A : memref<!tpu.dma_semaphore, #tpu.memory_space<semaphore_mem>>)
        %dma_wait3A = arith.constant 0 : i32
        %dma_wait3A_62 = tpu.memref_slice %arg5[%add3A, %dma_wait3A] : memref<20000x128xf32, #tpu.memory_space<hbm>> -> memref<624x128xf32, #tpu.memory_space<hbm>>
        %dma_wait3A_63 = arith.constant 0 : i32
        %dma_wait3A_64 = tpu.memref_slice %arg10[%mul3A_53, %dma_wait3A_63] : memref<10016x128xf32, #tpu.memory_space<vmem_shared>> -> memref<624x128xf32, #tpu.memory_space<vmem_shared>>
        tpu.wait_dma2 semaphore(%run_scoped3A : memref<!tpu.dma_semaphore, #tpu.memory_space<semaphore_mem>>) src(%dma_wait3A_64 : memref<624x128xf32, #tpu.memory_space<vmem_shared>>) dst(%dma_wait3A_62 : memref<624x128xf32, #tpu.memory_space<hbm>>)
        tpu.yield
      }) : () -> ()
    } else {
    }
    %eq3A_48 = arith.constant 15 : i32
    %eq3A_49 = arith.cmpi eq, %arg1, %eq3A_48 : i32
    %convert_element_type3A_50 = arith.extui %eq3A_49 : i1 to i32
    %cond3A_51 = arith.constant 0 : i32
    %cond3A_52 = arith.cmpi ne, %convert_element_type3A_50, %cond3A_51 : i32
    scf.if %cond3A_52 {
      %mul3A = arith.constant 10000 : i32
      %mul3A_53 = arith.muli %arg0, %mul3A : i32
      %add3A = arith.constant 9360 : i32
      %add3A_54 = arith.addi %mul3A_53, %add3A : i32
      "tpu.region"() ({
        %run_scoped3A = tpu.sem_alloc : memref<!tpu.dma_semaphore, #tpu.memory_space<semaphore_mem>>
        %dma_start3A_55 = arith.constant 0 : i32
        %dma_start3A_56 = tpu.memref_slice %arg5[%add3A_54, %dma_start3A_55] : memref<20000x128xf32, #tpu.memory_space<hbm>> -> memref<640x128xf32, #tpu.memory_space<hbm>>
        %dma_start3A_57 = arith.constant 9360 : i32
        %dma_start3A_58 = arith.constant 0 : i32
        %dma_start3A_59 = tpu.memref_slice %arg10[%dma_start3A_57, %dma_start3A_58] : memref<10016x128xf32, #tpu.memory_space<vmem_shared>> -> memref<640x128xf32, #tpu.memory_space<vmem_shared>>
        tpu.enqueue_dma source(%dma_start3A_59 : memref<640x128xf32, #tpu.memory_space<vmem_shared>>) target(%dma_start3A_56 : memref<640x128xf32, #tpu.memory_space<hbm>>) target_semaphore(%run_scoped3A : memref<!tpu.dma_semaphore, #tpu.memory_space<semaphore_mem>>)
        %dma_wait3A = arith.constant 0 : i32
        %dma_wait3A_60 = tpu.memref_slice %arg5[%add3A_54, %dma_wait3A] : memref<20000x128xf32, #tpu.memory_space<hbm>> -> memref<640x128xf32, #tpu.memory_space<hbm>>
        %dma_wait3A_61 = arith.constant 9360 : i32
        %dma_wait3A_62 = arith.constant 0 : i32
        %dma_wait3A_63 = tpu.memref_slice %arg10[%dma_wait3A_61, %dma_wait3A_62] : memref<10016x128xf32, #tpu.memory_space<vmem_shared>> -> memref<640x128xf32, #tpu.memory_space<vmem_shared>>
        tpu.wait_dma2 semaphore(%run_scoped3A : memref<!tpu.dma_semaphore, #tpu.memory_space<semaphore_mem>>) src(%dma_wait3A_63 : memref<640x128xf32, #tpu.memory_space<vmem_shared>>) dst(%dma_wait3A_60 : memref<640x128xf32, #tpu.memory_space<hbm>>)
        tpu.yield
      }) : () -> ()
    } else {
    }
    return
  }
}

</mosaic_0001>

<sc_bundles>
// kernel: _sc_agg.3.cloned.1.call-start
scs
__scs_entry_jumppad:
0x0: {  	(pc) =	sbr.rel $0x88, $3  }
0x1: {  	(tag) =	ssettag $0x0;
	lr =	simm.s32 $0x1  }
0x2: {  	[smem:$0x3F9E] =	sst lr;
	_ =	strace $0xD0000000  }
0x3: {  	_ = 	snop  }
0x4: {  	_ = 	snop  }
0x5: {  	_ = 	snop  }
0x6: {  	_ = 	snop  }
0x7: {  	_ = 	snop  }
__scs_overlays_trampoline_lowered:
0x8: {  	[smem:$0x3FAD] =	sst s0  }
0x9: {  	[smem:$0x3FAE] =	sst s1  }
0xa: {  	[smem:$0x3FAF] =	sst s2  }
0xb: {  	[smem:$0x3FB0] =	sst s3  }
0xc: {  	[smem:$0x3FB1] =	sst s4  }
0xd: {  	[smem:$0x3FB2] =	sst s5  }
0xe: {  	[smem:$0x3FB3] =	sst s6  }
0xf: {  	[smem:$0x3FB4] =	sst s7  }
0x10: {  	[smem:$0x3FB5] =	sst s8  }
0x11: {  	[smem:$0x3FB6] =	sst s9;
	s0 =	simm.s32 @!p0 $0x0  }
0x12: {  	s1 =	sld [smem:$0x3F9C];
	s0 =	simm.s32 @p0 $0x1  }
0x13: {  	[smem:$0x3FB7] =	sst s0;
	s0 =	simm.s32 @!p1 $0x0  }
0x14: {  	s2 =	sld [smem:$0x3F9B];
	s0 =	simm.s32 @p1 $0x1  }
0x15: {  	[smem:$0x3FB8] =	sst s0;
	s0 =	simm.s32 @!p2 $0x0  }
0x16: {  	s3 =	sld [smem:$0x3FDB];
	s0 =	simm.s32 @p2 $0x1  }
0x17: {  	s4 =	simm.s32 $0x1BF5;
	[smem:$0x3FBA] =	sst s0  }
0x18: {  	s0 =	sld [smem:$0x3F9D];
	_ =	swait.ge [sflag:s4], $0x0  }
0x19: {  	s7 =	sld [smem:$0x3F9E]  }
0x1a: {  	s8 =	sadd.s32 $0xFFFFE003, lr  }
0x1b: {  	s9 =	sadd.s32 $0xFFFFFEF7, lr;
	s5 =	simm.s32 $0xFFFFFFFF;
	p2 =	slt.u32 s8, $0xFFFFF086  }
0x1c: {  	p1 =	slt.u32 s9, $0xF7A;
	s5 =	simm.s32 @!p2 $0x0  }
0x1d: {  	s5 =	simm.s32 @p1 $0x1;
	p0 =	seq.s32 s7, s2  }
0x1e: {  	s7 =	smul.u32 @!p0 $0xF7A, s2;
	p2 =	seq.s32 @!p0 s5, $0x0  }
0x1f: {  	s9 =	smul.u32 $0xF7A, s1;
	s8 =	simm.s32 @!p0 $0x1BF5;
	p2 =	por !p2, p0  }
0x20: {  	[sflag:s8] =	ssyncset.s32 @!p0 $0xFFFFF086;
	s6 =	sadd.s32 @!p0 s3, s7;
	s7 =	simm.s32 @!p0 $0x108  }
0x21: {  	s3 =	sadd.s32 s3, s9;
	s6 =	sadd.s32 @!p0 $0x88, s6;
	s7 =	simm.s32 @p2 $0x1082  }
0x22: {  	[simem:s7], [sflag:s8] =	dma.local @!p0 [hbm:s6], $0xF7A  }
0x23: {  	s9 =	sor.u32 $0xD0000000, s2;
	s6 =	simm.s32 $0x108;
	_ =	swait.ge @!p0 [sflag:s8], $0x0  }
0x24: {  	s3 =	sadd.s32 $0x88, s3;
	s6 =	simm.s32 @!p1 $0x1082;
	[sflag:s4] =	ssyncset.s32 $0xFFFFF086  }
0x25: {  	[simem:s6], [sflag:s4] =	dma.local [hbm:s3], $0xF7A  }
0x26: {  	[smem:$0x3F9E] =	sst s1;
	(tag) =	ssettag s2;
	_ =	strace s9  }
0x27: {  	s1 =	sld [smem:$0x3FAE]  }
0x28: {  	s2 =	sld [smem:$0x3FAF]  }
0x29: {  	s4 =	sld [smem:$0x3FB1]  }
0x2a: {  	p0 =	seq.s32 s5, $0x0;
	s5 =	sld [smem:$0x3FB2]  }
0x2b: {  	s6 =	sld [smem:$0x3FB3]  }
0x2c: {  	s7 =	sld [smem:$0x3FB4]  }
0x2d: {  	s3 =	simm.s32 $0x108;
	s8 =	sld [smem:$0x3FB5]  }
0x2e: {  	s3 =	simm.s32 @!p0 $0x1082;
	s9 =	sld [smem:$0x3FB6]  }
0x2f: {  	lr =	sadd.s32 s0, s3;
	s0 =	sld [smem:$0x3FAD]  }
0x30: {  	s3 =	sld [smem:$0x3FB0]  }
0x31: {  	[smem:$0x3FB9] =	sst s10  }
0x32: {  	s10 =	sld [smem:$0x3FB7];
	_ =	sdelay $0x3  }
0x33: {  	p0 =	seq.s32 s10, $0x1;
	s10 =	sld [smem:$0x3FB9];
	_ =	sdelay $0x3  }
0x34: {  	[smem:$0x3FB9] =	sst s10  }
0x35: {  	s10 =	sld [smem:$0x3FB8];
	_ =	sdelay $0x3  }
0x36: {  	p1 =	seq.s32 s10, $0x1;
	s10 =	sld [smem:$0x3FB9];
	_ =	sdelay $0x3  }
0x37: {  	[smem:$0x3FB9] =	sst s10  }
0x38: {  	s10 =	sld [smem:$0x3FBA]  }
0x39: {  	_ = 	snop;
	(pc) =	sbr.ind lr, $3  }
0x3a: {  	_ = 	snop  }
0x3b: {  	_ = 	snop  }
0x3c: {  	p2 =	seq.s32 s10, $0x1;
	s10 =	sld [smem:$0x3FB9]  }
0x3d: {  	_ =	shalt  }
0x3e: {  	_ =	shalt  }
0x3f: {  	_ =	shalt  }
0x40: {  	_ =	shalt  }
0x41: {  	_ =	shalt  }
0x42: {  	_ =	shalt  }
0x43: {  	_ =	shalt  }
0x44: {  	_ =	shalt  }
0x45: {  	_ =	shalt  }
0x46: {  	_ =	shalt  }
0x47: {  	_ =	shalt  }
0x48: {  	_ =	shalt  }
0x49: {  	_ =	shalt  }
0x4a: {  	_ =	shalt  }
0x4b: {  	_ =	shalt  }
0x4c: {  	_ =	shalt  }
0x4d: {  	_ =	shalt  }
0x4e: {  	_ =	shalt  }
0x4f: {  	_ =	shalt  }
0x50: {  	_ =	shalt  }
0x51: {  	_ =	shalt  }
0x52: {  	_ =	shalt  }
0x53: {  	_ =	shalt  }
0x54: {  	_ =	shalt  }
0x55: {  	_ =	shalt  }
0x56: {  	_ =	shalt  }
0x57: {  	_ =	shalt  }
0x58: {  	_ =	shalt  }
0x59: {  	_ =	shalt  }
0x5a: {  	_ =	shalt  }
0x5b: {  	_ =	shalt  }
0x5c: {  	_ =	shalt  }
0x5d: {  	_ =	shalt  }
0x5e: {  	_ =	shalt  }
0x5f: {  	_ =	shalt  }
0x60: {  	_ =	shalt  }
0x61: {  	_ =	shalt  }
0x62: {  	_ =	shalt  }
0x63: {  	_ =	shalt  }
0x64: {  	_ =	shalt  }
0x65: {  	_ =	shalt  }
0x66: {  	_ =	shalt  }
0x67: {  	_ =	shalt  }
0x68: {  	_ =	shalt  }
0x69: {  	_ =	shalt  }
0x6a: {  	_ =	shalt  }
0x6b: {  	_ =	shalt  }
0x6c: {  	_ =	shalt  }
0x6d: {  	_ =	shalt  }
0x6e: {  	_ =	shalt  }
0x6f: {  	_ =	shalt  }
0x70: {  	_ =	shalt  }
0x71: {  	_ =	shalt  }
0x72: {  	_ =	shalt  }
0x73: {  	_ =	shalt  }
0x74: {  	_ =	shalt  }
0x75: {  	_ =	shalt  }
0x76: {  	_ =	shalt  }
0x77: {  	_ =	shalt  }
0x78: {  	_ =	shalt  }
0x79: {  	_ =	shalt  }
0x7a: {  	_ =	shalt  }
0x7b: {  	_ =	shalt  }
0x7c: {  	_ =	shalt  }
0x7d: {  	_ =	shalt  }
0x7e: {  	_ =	shalt  }
0x7f: {  	_ =	shalt  }
0x80: {  	_ =	shalt  }
0x81: {  	_ =	shalt  }
0x82: {  	_ =	shalt  }
0x83: {  	_ =	shalt  }
0x84: {  	_ =	shalt  }
0x85: {  	_ =	shalt  }
0x86: {  	_ =	shalt  }
0x87: {  	_ =	shalt  }
.Lfunc_end0:
.L_simem_size_0:
called_computation_lowered:
.L_overlay_start_0:
0x88: {  	s2 =	sld [smem:$0x3FD9]  }
0x89: {  	s3 =	sld [smem:$0x3FFE];
	_ =	sdelay $0x1  }
0x8a: {  	s1 =	srdreg.scid  }
0x8b: {  	s0 =	sand.u32 $0x1, s1  }
0x8c: {  	s18 =	sshll.u32 s0, $0xA;
	s2 =	sadd.s32 s3, s2  }
0x8d: {  	s2 =	sadd.s32 s2, s18  }
0x8e: {  	[smem:$0x3FC5] =	sst s2  }
0x8f: {  	_ = 	snop  }
0x90: {  	s2 =	sld [smem:$0x3FC9]  }
0x91: {  	s19 =	sld [smem:$0x3FC8]  }
0x92: {  	s4 =	sld [smem:$0x3FC7]  }
0x93: {  	s5 =	sld [smem:$0x3FD0];
	(tm) =	ssettm $0x1  }
0x94: {  	s6 =	sld [smem:$0x3FFB];
	_ =	sdelay $0x3  }
0x95: {  	_ =	strace s6  }
0x96: {  	s6 =	sld [smem:$0x3FFC];
	_ =	sdelay $0x3  }
0x97: {  	_ =	strace s6  }
0x98: {  	s6 =	sld [smem:$0x3FFD];
	_ =	sdelay $0x3  }
0x99: {  	_ =	strace s6  }
0x9a: {  	_ =	strace $0x8FFFFFFF  }
0x9b: {  	s20 =	sld [smem:$0x3FDB];
	_ =	sdelay $0x1  }
0x9c: {  	s7 =	simm.s32 $_scs_section_size  }
0x9d: {  	s8 =	simm.s32 $_size__tile_overlayer_lowered;
	s9 =	simm.s32 $_tile_overlayer_lowered  }
0x9e: {  	s23 =	simm.s32 $0x1BFF;
	s22 =	sshll.u32 s9, $0x1;
	s6 =	sadd.s32 s7, s20  }
0x9f: {  	s10 =	simm.s32 $0x0;
	s21 =	sshll.u32 s8, $0x1;
	s8 =	sadd.s32 s22, s6  }
0xa0: {  	[timem:s10], [sflag:s23] =	dma.local [hbm:s8], s21  }
0xa1: {  	_ =	swait.ge [sflag:s23], s21  }
0xa2: {  	s7 =	ssub.s32 $0x0, s21;
	[sflag:s23] =	ssyncset.done $0x0  }
0xa3: {  	[sflag:s23] =	ssyncadd.s32 s7;
	_ =	sdelay $0x1  }
0xa4: {  	s24 =	simm.s32 $0x1B8B  }
0xa5: {  	_ =	swait.ge [sflag:s24], $0x1  }
0xa6: {  	[sflag:s24] =	ssyncset.done $0x0  }
0xa7: {  	s25 =	simm.s32 $0x1B8E;
	[sflag:s24] =	ssyncadd.s32 $0xFFFFFFFF  }
0xa8: {  	s26 =	simm.s32 $execute0_lowered;
	[smem:$0x3FD2] =	sst s25  }
0xa9: {  	s7 =	sshll.u32 s26, $0x1;
	_ =	strace $0x80000046;
	[dreg:$0x1] =	wrdreg $0xFFFFFFFF  }
0xaa: {  	s28 =	simm.s32 $_size_execute0_lowered;
	s6 =	sadd.s32 s6, s7;
	[dreg:$0x0] =	wrdreg $0x0  }
0xab: {  	s7 =	sshll.u32 s28, $0x1;
	[dreg:$0x2] =	wrdreg s6  }
0xac: {  	[dreg:$0x3] =	wrdreg s7  }
0xad: {  	[dreg:$0x4] =	wrdreg $0xC0  }
0xae: {  	_ =	task [dreg:s10], $0x5FFFF  }
0xaf: {  	[dreg:$0x1] =	wrdreg $0xFFFFFFFF  }
0xb0: {  	[dreg:$0x0] =	wrdreg $0x60  }
0xb1: {  	[dreg:$0x2] =	wrdreg s2  }
0xb2: {  	[dreg:$0x3] =	wrdreg s19  }
0xb3: {  	[dreg:$0x4] =	wrdreg s4  }
0xb4: {  	[dreg:$0x5] =	wrdreg s5  }
0xb5: {  	[dreg:$0x6] =	wrdreg $0xA8000  }
0xb6: {  	[dreg:$0x7] =	wrdreg $0x9  }
0xb7: {  	_ =	task.clear_ibuf [dreg:s10], $0x8FFFF;
	_ =	strace $0x90000046  }
0xb8: {  	s29 =	simm.s32 $0x9;
	_ =	strace $0x80000048  }
0xb9: {  	_ =	swait.ge [sflag:s29], $0x1  }
0xba: {  	[sflag:s29] =	ssyncadd.s32 $0xFFFFFFFF  }
0xbb: {  	_ =	strace $0x90000048  }
0xbc: {  	_ =	sfence  }
0xbd: {  	s30 =	sld [smem:$0x0];
	_ =	sdelay $0x2  }
0xbe: {  	s31 =	sshll.u32 s1, $0xD;
	s1 =	sshrl.u32 s1, $0x2  }
0xbf: {  	s3 =	sand.u32 $0x4000, s31;
	s1 =	sadd.s32 s1, s30  }
0xc0: {  	s0 =	sor.u32 s3, s0;
	s1 =	sshll.u32 s1, $0x11  }
0xc1: {  	s0 =	sor.u32 s1, s0  }
0xc2: {  	s0 =	sadd.s32 $0x8F2B, s0  }
0xc3: {  	[sflag:s0] =	ssyncadd.remote.s32 $0x1  }
0xc4: {  	_ =	sfence.sel $0xFFFF  }
0xc5: {  	[dreg:$0x0] =	wrdreg $0xFFFFFFFF;
	(pc) =	sbr.abs _section_cstart, $3  }
0xc6: {  	[dreg:$0x1] =	wrdreg $0xFFFFFFFF  }
0xc7: {  	_ =	task.clear_ibuf [dreg:s10], $0x2FFFF;
	_ =	strace $0x9FFFFFFF  }
0xc8: {  	(tm) =	ssettm $0x7FFFFFFF  }
0xc9: {  	_ =	shalt  }
tec
execute0_lowered:
.L_overlay_start_1:
0x0: {  	(tag) =	ssettag $0x1  }
0x1: {  	s0 =	rddreg [dreg:$0x0]  }
0x2: {  	s6 =	rddreg [dreg:$0x1]  }
0x3: {  	s7 =	rddreg [dreg:$0x2]  }
0x4: {  	s12 =	rddreg [dreg:$0x3]  }
0x5: {  	s2 =	srdreg.scid;
	s1 =	stileid.u32  }
0x6: {  	s3 =	rddreg [dreg:$0x4];
	s4 =	simm.s32 $0x0;
	s17 =	simm.s32 $0x3  }
0x7: {  	s18 =	simm.s32 $0x1400;
	s19 =	simm.s32 $0x80;
	s20 =	simm.s32 $0x2800  }
0x8: {  	s21 =	simm.s32 $0x6800;
	s22 =	simm.s32 $0x1;
	s23 =	simm.s32 $0x2  }
0x9: {  	s24 =	simm.s32 $0x2700;
	s25 =	simm.s32 $0x2780;
	s8 =	smul.u32 $0x4E000, s1  }
0xa: {  	s5 =	sand.u32 $0x1, s2;
	s2 =	rddreg [dreg:$0x5];
	s11 =	smul.u32 $0x2700, s1  }
0xb: {  	s26 =	simm.s32 $0x0;
	[smem:$0x7FF] =	sst s4;
	s28 =	smul.u32 $0x2800, s1  }
0xc: {  	s15 =	sadd.s32 $0x124800, s3;
	p0 =	seq.s32 s1, $0xF;
	s9 =	smul.u32 $0x27100, s5  }
0xd: {  	s10 =	ssub.s32 $0x2, s5;
	_ =	strace $0x80000047;
	s14 =	smul.u32 $0x28000, s5  }
0xe: {  	s29 =	smul.u32 $0x138800, s5;
	s13 =	sshrl.u32 s10, $0x1;
	s8 =	sshrl.u32 s8, $0x2  }
0xf: {  	s13 =	ssub.s32 s10, s13;
	s16 =	sadd.s32 s8, s3;
	s11 =	sadd.s32 s11, s9  }
0x10: {  	s30 =	sadd.s32 s28, s14;
	s8 =	sshrl.u32 s29, $0x3;
	s10 =	sshrl.u32 s28, $0x3  }
0x11: {  	s14 =	sshrl.u32 @p0 s15, $0x3;
	s15 =	sshll.u32 @!p0 s1, $0x6;
	s5 =	sadd.s32 s0, s11  }
0x12: {  	s9 =	sshrl.u32 s30, $0x3;
	s31 =	sadd.s32 $0x24900, s8;
	s7 =	sadd.s32 s7, s10  }
0x13: {  	s11 =	sadd.s32 s12, s11;
	s13 =	smax.u32 s13, $0x1;
	s15 =	sor.u32 @!p0 $0x1C03, s15  }
0x14: {  	s16 =	sshrl.u32 @!p0 s16, $0x3;
	s6 =	sadd.s32 s6, s9;
	s8 =	sadd.s32 s0, s31  }
0x15: {  	s10 =	sadd.s32 $0x280, s7;
	s12 =	sadd.s32 s12, s31;
	s9 =	sadd.s32 $0x280, s6  }
.LBB2_1:
0x16: {  	s28 =	simm.s32 @p0 $0x1FC3  }
0x17: {  	[spmem:s14], [sflag:s28] =	dma.local @p0 [hbm:s8], $0x2800  }
0x18: {  	s28 =	simm.s32 @p0 $0x3  }
0x19: {  	_ =	swait.ge @p0 [sflag:s28], $0x2800  }
0x1a: {  	[sflag:s28] =	ssyncset.done @p0 $0x0  }
0x1b: {  	[sflag:s28] =	ssyncadd.s32 @p0 $0xFFFFD800;
	s28 =	simm.s32 @!p0 $0x3  }
0x1c: {  	[spmem:s16], [sflag:s15] =	dma.local @!p0 [hbm:s5], $0x2700  }
0x1d: {  	_ =	swait.ge @!p0 [sflag:s28], $0x2700  }
0x1e: {  	[sflag:s28] =	ssyncset.done @!p0 $0x0  }
0x1f: {  	[sflag:s28] =	ssyncadd.s32 @!p0 $0xFFFFD900  }
0x20: {  	[bflag:$0x0] =	sbarrier.arrive $0xFFFF  }
0x21: {  	[tilespmem:s4], [sflag:$0x3] =	stream.linear.gather [hbm4b:s6+s4], $0x1400, $0x38;
	[tilespmem:$0x1E100] =	vst v63  }
0x22: {  	_ =	swait.ge [sflag:s17], $0x1400  }
0x23: {  	[sflag:s17] =	ssyncset.done $0x0  }
0x24: {  	[sflag:s17] =	ssyncadd.s32 $0xFFFFEC00  }
0x25: {  	[tilespmem:s18], [sflag:$0x3] =	stream.linear.gather [hbm4b:s7+s4], $0x1400, $0x38;
	[tilespmem:$0x1E100] =	vst v63  }
0x26: {  	_ =	swait.ge [sflag:s17], $0x1400  }
0x27: {  	[sflag:s17] =	ssyncset.done $0x0  }
0x28: {  	[sflag:s17] =	ssyncadd.s32 $0xFFFFEC00  }
0x29: {  	[tilespmem:s20], [sflag:$0x1] =	stream.indirect.gather [hbm4b:s0+s19], $0x80, s4, s19, $0xb8;
	[tilespmem:$0x1E100] =	vst v63  }
0x2a: {  	_ = 	snop  }
0x2b: {  	[tilespmem:s21], [sflag:$0x2] =	stream.indirect.gather [hbm4b:s0+s19], $0x80, s19, s19, $0xb8;
	[tilespmem:$0x1E100] =	vst v63  }
0x2c: {  	_ =	swait.ge [sflag:s22], $0x4000  }
0x2d: {  	[sflag:s22] =	ssyncset.done $0x0  }
0x2e: {  	s28 =	simm.s32 $0x1400;
	[sflag:s22] =	ssyncadd.s32 $0xFFFFC000  }
0x2f: {  	[spmem:s3] =	stream.indirect.scatter.add.f32 [tilespmem:s20], [sflag:$0x3], $0x80, s28, s19, $0xb8;
	[tilespmem:$0x1E100] =	vst v63  }
0x30: {  	_ =	swait.ge [sflag:s17], $0x4000  }
0x31: {  	[sflag:s17] =	ssyncset.done $0x0  }
0x32: {  	s28 =	simm.s32 $0x100;
	[sflag:s17] =	ssyncadd.s32 $0xFFFFC000  }
0x33: {  	[tilespmem:s20], [sflag:$0x1] =	stream.indirect.gather [hbm4b:s0+s19], $0x80, s28, s19, $0xb8;
	[tilespmem:$0x1E100] =	vst v63  }
0x34: {  	_ =	swait.ge [sflag:s23], $0x4000  }
0x35: {  	[sflag:s23] =	ssyncset.done $0x0  }
0x36: {  	s28 =	simm.s32 $0x1480;
	[sflag:s23] =	ssyncadd.s32 $0xFFFFC000  }
0x37: {  	[spmem:s3] =	stream.indirect.scatter.add.f32 [tilespmem:s21], [sflag:$0x3], $0x80, s28, s19, $0xb8;
	[tilespmem:$0x1E100] =	vst v63  }
0x38: {  	_ =	swait.ge [sflag:s17], $0x4000  }
0x39: {  	[sflag:s17] =	ssyncset.done $0x0  }
0x3a: {  	s29 =	simm.s32 $0x180;
	s28 =	simm.s32 $0x400;
	[sflag:s17] =	ssyncadd.s32 $0xFFFFC000  }
.LBB2_2:
0x3b: {  	[tilespmem:s21], [sflag:$0x2] =	stream.indirect.gather [hbm4b:s0+s19], $0x80, s29, s19, $0xb8;
	[tilespmem:$0x1E100] =	vst v63  }
0x3c: {  	s29 =	smov.u32 s28  }
0x3d: {  	p1 =	sne.s32 s28, $0x4800;
	s28 =	sadd.s32 $0x400, s28;
	_ =	swait.ge [sflag:s22], $0x4000  }
0x3e: {  	s29 =	sshra.s32 s29, $0x2;
	[sflag:s22] =	ssyncset.done $0x0  }
0x3f: {  	s30 =	sadd.s32 $0x1400, s29;
	[sflag:s22] =	ssyncadd.s32 $0xFFFFC000  }
0x40: {  	[spmem:s3] =	stream.indirect.scatter.add.f32 [tilespmem:s20], [sflag:$0x3], $0x80, s30, s19, $0xb8;
	[tilespmem:$0x1E100] =	vst v63  }
0x41: {  	_ =	swait.ge [sflag:s17], $0x4000  }
0x42: {  	[sflag:s17] =	ssyncset.done $0x0  }
0x43: {  	s30 =	sadd.s32 $0x100, s29;
	[sflag:s17] =	ssyncadd.s32 $0xFFFFC000  }
0x44: {  	[tilespmem:s20], [sflag:$0x1] =	stream.indirect.gather [hbm4b:s0+s19], $0x80, s30, s19, $0xb8;
	[tilespmem:$0x1E100] =	vst v63  }
0x45: {  	_ =	swait.ge [sflag:s23], $0x4000  }
0x46: {  	[sflag:s23] =	ssyncset.done $0x0  }
.Ltmp0:
0x47: {  	s30 =	sadd.s32 $0x1480, s29;
	[sflag:s23] =	ssyncadd.s32 $0xFFFFC000;
	(pc) =	sbr.rel @p1 .LBB2_2-.Ltmp0, $4  }
0x48: {  	[spmem:s3] =	stream.indirect.scatter.add.f32 [tilespmem:s21], [sflag:$0x3], $0x80, s30, s19, $0xb8;
	[tilespmem:$0x1E100] =	vst v63  }
0x49: {  	_ =	swait.ge [sflag:s17], $0x4000  }
0x4a: {  	[sflag:s17] =	ssyncset.done $0x0  }
0x4b: {  	s29 =	sadd.s32 $0x180, s29;
	[sflag:s17] =	ssyncadd.s32 $0xFFFFC000  }
0x4c: {  	[tilespmem:s21], [sflag:$0x2] =	stream.indirect.gather [hbm4b:s0+s19], $0x80, s29, s19, $0xb8;
	[tilespmem:$0x1E100] =	vst v63  }
0x4d: {  	_ =	swait.ge [sflag:s22], $0x4000  }
0x4e: {  	[sflag:s22] =	ssyncset.done $0x0  }
0x4f: {  	[sflag:s22] =	ssyncadd.s32 $0xFFFFC000  }
0x50: {  	[spmem:s3] =	stream.indirect.scatter.add.f32 [tilespmem:s20], [sflag:$0x3], $0x80, s24, s19, $0xb8;
	[tilespmem:$0x1E100] =	vst v63  }
0x51: {  	_ =	swait.ge [sflag:s17], $0x4000  }
0x52: {  	[sflag:s17] =	ssyncset.done $0x0  }
0x53: {  	[sflag:s17] =	ssyncadd.s32 $0xFFFFC000  }
0x54: {  	_ =	swait.ge [sflag:s23], $0x4000  }
0x55: {  	[sflag:s23] =	ssyncset.done $0x0  }
0x56: {  	[sflag:s23] =	ssyncadd.s32 $0xFFFFC000  }
0x57: {  	[spmem:s3] =	stream.indirect.scatter.add.f32 [tilespmem:s21], [sflag:$0x3], $0x80, s25, s19, $0xb8;
	[tilespmem:$0x1E100] =	vst v63  }
0x58: {  	_ =	swait.ge [sflag:s17], $0x4000  }
0x59: {  	[sflag:s17] =	ssyncset.done $0x0  }
0x5a: {  	s28 =	simm.s32 $0x0;
	[sflag:s17] =	ssyncadd.s32 $0xFFFFC000  }
0x5b: {  	[tilespmem:s28], [sflag:$0x3] =	stream.linear.gather [hbm4b:s9+s28], $0x1400, $0x38;
	[tilespmem:$0x1E100] =	vst v63  }
0x5c: {  	_ =	swait.ge [sflag:s17], $0x1400  }
0x5d: {  	[sflag:s17] =	ssyncset.done $0x0  }
0x5e: {  	[sflag:s17] =	ssyncadd.s32 $0xFFFFEC00  }
0x5f: {  	[tilespmem:s18], [sflag:$0x3] =	stream.linear.gather [hbm4b:s10+s28], $0x1400, $0x38;
	[tilespmem:$0x1E100] =	vst v63  }
0x60: {  	_ =	swait.ge [sflag:s17], $0x1400  }
0x61: {  	[sflag:s17] =	ssyncset.done $0x0  }
0x62: {  	[sflag:s17] =	ssyncadd.s32 $0xFFFFEC00  }
0x63: {  	[tilespmem:s20], [sflag:$0x1] =	stream.indirect.gather [hbm4b:s0+s19], $0x80, s28, s19, $0xb8;
	[tilespmem:$0x1E100] =	vst v63  }
0x64: {  	_ = 	snop  }
0x65: {  	[tilespmem:s21], [sflag:$0x2] =	stream.indirect.gather [hbm4b:s0+s19], $0x80, s19, s19, $0xb8;
	[tilespmem:$0x1E100] =	vst v63  }
0x66: {  	_ =	swait.ge [sflag:s22], $0x4000  }
0x67: {  	[sflag:s22] =	ssyncset.done $0x0  }
0x68: {  	s28 =	simm.s32 $0x1400;
	[sflag:s22] =	ssyncadd.s32 $0xFFFFC000  }
0x69: {  	[spmem:s3] =	stream.indirect.scatter.add.f32 [tilespmem:s20], [sflag:$0x3], $0x80, s28, s19, $0xb8;
	[tilespmem:$0x1E100] =	vst v63  }
0x6a: {  	_ =	swait.ge [sflag:s17], $0x4000  }
0x6b: {  	[sflag:s17] =	ssyncset.done $0x0  }
0x6c: {  	s28 =	simm.s32 $0x100;
	[sflag:s17] =	ssyncadd.s32 $0xFFFFC000  }
0x6d: {  	[tilespmem:s20], [sflag:$0x1] =	stream.indirect.gather [hbm4b:s0+s19], $0x80, s28, s19, $0xb8;
	[tilespmem:$0x1E100] =	vst v63  }
0x6e: {  	_ =	swait.ge [sflag:s23], $0x4000  }
0x6f: {  	[sflag:s23] =	ssyncset.done $0x0  }
0x70: {  	s28 =	simm.s32 $0x1480;
	[sflag:s23] =	ssyncadd.s32 $0xFFFFC000  }
0x71: {  	[spmem:s3] =	stream.indirect.scatter.add.f32 [tilespmem:s21], [sflag:$0x3], $0x80, s28, s19, $0xb8;
	[tilespmem:$0x1E100] =	vst v63  }
0x72: {  	_ =	swait.ge [sflag:s17], $0x4000  }
0x73: {  	[sflag:s17] =	ssyncset.done $0x0  }
0x74: {  	s29 =	simm.s32 $0x180;
	s28 =	simm.s32 $0x400;
	[sflag:s17] =	ssyncadd.s32 $0xFFFFC000  }
.LBB2_4:
0x75: {  	[tilespmem:s21], [sflag:$0x2] =	stream.indirect.gather [hbm4b:s0+s19], $0x80, s29, s19, $0xb8;
	[tilespmem:$0x1E100] =	vst v63  }
0x76: {  	s29 =	smov.u32 s28  }
0x77: {  	p1 =	sne.s32 s28, $0x4800;
	s28 =	sadd.s32 $0x400, s28;
	_ =	swait.ge [sflag:s22], $0x4000  }
0x78: {  	s29 =	sshra.s32 s29, $0x2;
	[sflag:s22] =	ssyncset.done $0x0  }
0x79: {  	s30 =	sadd.s32 $0x1400, s29;
	[sflag:s22] =	ssyncadd.s32 $0xFFFFC000  }
0x7a: {  	[spmem:s3] =	stream.indirect.scatter.add.f32 [tilespmem:s20], [sflag:$0x3], $0x80, s30, s19, $0xb8;
	[tilespmem:$0x1E100] =	vst v63  }
0x7b: {  	_ =	swait.ge [sflag:s17], $0x4000  }
0x7c: {  	[sflag:s17] =	ssyncset.done $0x0  }
0x7d: {  	s30 =	sadd.s32 $0x100, s29;
	[sflag:s17] =	ssyncadd.s32 $0xFFFFC000  }
0x7e: {  	[tilespmem:s20], [sflag:$0x1] =	stream.indirect.gather [hbm4b:s0+s19], $0x80, s30, s19, $0xb8;
	[tilespmem:$0x1E100] =	vst v63  }
0x7f: {  	_ =	swait.ge [sflag:s23], $0x4000  }
0x80: {  	[sflag:s23] =	ssyncset.done $0x0  }
.Ltmp1:
0x81: {  	s30 =	sadd.s32 $0x1480, s29;
	[sflag:s23] =	ssyncadd.s32 $0xFFFFC000;
	(pc) =	sbr.rel @p1 .LBB2_4-.Ltmp1, $4  }
0x82: {  	[spmem:s3] =	stream.indirect.scatter.add.f32 [tilespmem:s21], [sflag:$0x3], $0x80, s30, s19, $0xb8;
	[tilespmem:$0x1E100] =	vst v63  }
0x83: {  	_ =	swait.ge [sflag:s17], $0x4000  }
0x84: {  	[sflag:s17] =	ssyncset.done $0x0  }
0x85: {  	s29 =	sadd.s32 $0x180, s29;
	[sflag:s17] =	ssyncadd.s32 $0xFFFFC000  }
0x86: {  	[tilespmem:s21], [sflag:$0x2] =	stream.indirect.gather [hbm4b:s0+s19], $0x80, s29, s19, $0xb8;
	[tilespmem:$0x1E100] =	vst v63  }
0x87: {  	_ =	swait.ge [sflag:s22], $0x4000  }
0x88: {  	[sflag:s22] =	ssyncset.done $0x0  }
0x89: {  	[sflag:s22] =	ssyncadd.s32 $0xFFFFC000  }
0x8a: {  	[spmem:s3] =	stream.indirect.scatter.add.f32 [tilespmem:s20], [sflag:$0x3], $0x80, s24, s19, $0xb8;
	[tilespmem:$0x1E100] =	vst v63  }
0x8b: {  	_ =	swait.ge [sflag:s17], $0x4000  }
0x8c: {  	[sflag:s17] =	ssyncset.done $0x0  }
0x8d: {  	[sflag:s17] =	ssyncadd.s32 $0xFFFFC000  }
0x8e: {  	_ =	swait.ge [sflag:s23], $0x4000  }
0x8f: {  	[sflag:s23] =	ssyncset.done $0x0  }
0x90: {  	[sflag:s23] =	ssyncadd.s32 $0xFFFFC000  }
0x91: {  	[spmem:s3] =	stream.indirect.scatter.add.f32 [tilespmem:s21], [sflag:$0x3], $0x80, s25, s19, $0xb8;
	[tilespmem:$0x1E100] =	vst v63  }
0x92: {  	_ =	swait.ge [sflag:s17], $0x4000  }
0x93: {  	[sflag:s17] =	ssyncset.done $0x0  }
0x94: {  	[sflag:s17] =	ssyncadd.s32 $0xFFFFC000  }
0x95: {  	s28 =	simm.s32 @p0 $0x1FC3;
	[bflag:$0x0] =	sbarrier.arrive $0xFFFF  }
0x96: {  	[hbm:s12], [sflag:s28] =	dma.local @p0 [spmem:s14], $0x2800  }
0x97: {  	s28 =	simm.s32 @p0 $0x3  }
0x98: {  	s26 =	sadd.s32 $0x1, s26;
	_ =	swait.ge @p0 [sflag:s28], $0x2800  }
0x99: {  	p1 =	sne.s32 s26, s13;
	[sflag:s28] =	ssyncset.done @p0 $0x0  }
.Ltmp2:
0x9a: {  	[sflag:s28] =	ssyncadd.s32 @p0 $0xFFFFD800;
	s28 =	simm.s32 @!p0 $0x3;
	(pc) =	sbr.rel @p1 .LBB2_1-.Ltmp2, $4  }
0x9b: {  	[hbm:s11], [sflag:s15] =	dma.local @!p0 [spmem:s16], $0x2700  }
0x9c: {  	_ =	swait.ge @!p0 [sflag:s28], $0x2700  }
0x9d: {  	[sflag:s28] =	ssyncset.done @!p0 $0x0  }
0x9e: {  	[sflag:s28] =	ssyncadd.s32 @!p0 $0xFFFFD900  }
0x9f: {  	_ =	sfence.sel $0x180000  }
0xa0: {  	[bflag:$0x0] =	sbarrier.arrive $0xFFFF  }
0xa1: {  	p0 =	sne.s32 s1, $0x0;
	_ =	strace $0x90000047  }
0xa2: {  	s0 =	sadd.s32 @!p0 $0x100000, s2;
	[bflag:$0x2] =	sbarrier.arrive $0xFFFF  }
0xa3: {  	[sflag:s0] =	ssyncadd.tile.s32 @!p0 $0x1;
	_ =	shalt  }
.Lfunc_end2:
_tile_overlayer_lowered:
.L_overlay_start_2:
0xa4: {  	(tag) =	ssettag $0x2  }
0xa5: {  	s0 =	rddreg [dreg:$0x0];
	s2 =	stileid.u32  }
0xa6: {  	s1 =	rddreg [dreg:$0x1];
	p0 =	sne.s32 s2, $0x0  }
0xa7: {  	s3 =	rddreg [dreg:$0x2];
	[bflag:$0x3] =	sbarrier.arrive $0xFFFF;
	s2 =	simm.s32 @!p0 $0x1C03  }
0xa8: {  	[timem:s3], [sflag:s2] =	dma.local @!p0 [hbm:s0], s1  }
0xa9: {  	s0 =	simm.s32 @!p0 $0x3  }
0xaa: {  	_ =	swait.ge @!p0 [sflag:s0], s1  }
0xab: {  	s1 =	ssub.s32 @!p0 $0x0, s1;
	[sflag:s0] =	ssyncset.done @!p0 $0x0  }
0xac: {  	[sflag:s0] =	ssyncadd.s32 @!p0 s1  }
0xad: {  	[bflag:$0x3] =	sbarrier.arrive $0xFFFF  }
0xae: {  	_ =	shalt  }

</sc_bundles>
